<compile_context>
chip_gen: v7x
topology: tpu7x:2x2x1
jax: 0.10.2.dev20260603
libtpu: 0.0.44.dev20260713+nightly
codegen_flags: <defaults>
</compile_context>

<pallas_src>
import functools

import jax
import jax.numpy as jnp
from jax import lax
from jax.experimental import pallas as pl
from jax.experimental.pallas import tpu as pltpu
from jax.experimental.pallas import tpu_sc as plsc

EMB = 128
D_EDGE = 32
N_NODES = 10000
N_EDGES = 320000

NC = 2
NS = 16
NW = NC * NS
K = 64
E_PAD = 327680
EPW = E_PAD // NW
NCH = EPW // K
N_ACC = 10240
ROWS_PER_TILE = N_ACC // NS
DUMMY_DST = N_NODES


def _tnode_body(x_ref, w_ref, o_ref):
    o_ref[...] = jnp.dot(x_ref[...], w_ref[...],
                         preferred_element_type=jnp.float32)


def _efeat_body(x_ref, w_ref, b_ref, o_ref):
    o_ref[...] = jnp.dot(x_ref[...], w_ref[...],
                         preferred_element_type=jnp.float32) + b_ref[...]


def _sc_body(tnode_hbm, efeat_hbm, src_hbm, dst_hbm, part_hbm,
             src_all, dst_v0, dst_v1, t_v0, t_v1, e_v0, e_v1, acc_sh,
             sem_t0, sem_t1, sem_e0, sem_e1, sem_d0, sem_d1):
    c = lax.axis_index("c")
    s = lax.axis_index("s")
    wid = c * NS + s
    t_v = (t_v0, t_v1)
    e_v = (e_v0, e_v1)
    dst_v = (dst_v0, dst_v1)
    sem_t = (sem_t0, sem_t1)
    sem_e = (sem_e0, sem_e1)
    sem_d = (sem_d0, sem_d1)

    pltpu.sync_copy(src_hbm.at[wid], src_all)

    zvec = jnp.zeros((16,), jnp.float32)

    @pl.loop(0, K)
    def _zero_rows(r):
        for cc in range(EMB // 16):
            t_v0[r, pl.ds(cc * 16, 16)] = zvec

    row0 = s * ROWS_PER_TILE
    for b in range(ROWS_PER_TILE // K):
        pltpu.sync_copy(t_v0, acc_sh.at[pl.ds(row0 + b * K, K)])
    plsc.subcore_barrier()

    base = wid * EPW

    pltpu.async_copy(tnode_hbm.at[src_all.at[pl.ds(0, K)]], t_v0, sem_t0)
    pltpu.async_copy(efeat_hbm.at[pl.ds(base, K)], e_v0, sem_e0)
    pltpu.async_copy(dst_hbm.at[wid * NCH], dst_v0, sem_d0)

    @pl.loop(0, NCH, step=2)
    def _edge_block(j):
        for parity in range(2):
            jj = j + parity
            b, nb = parity, 1 - parity

            @pl.when(jj + 1 < NCH)
            def _prefetch():
                jn = jj + 1
                pltpu.async_copy(tnode_hbm.at[src_all.at[pl.ds(jn * K, K)]],
                                 t_v[nb], sem_t[nb])
                pltpu.async_copy(efeat_hbm.at[pl.ds(base + jn * K, K)],
                                 e_v[nb], sem_e[nb])
                pltpu.async_copy(dst_hbm.at[wid * NCH + jn],
                                 dst_v[nb], sem_d[nb])

            pltpu.make_async_copy(tnode_hbm.at[src_all.at[pl.ds(0, K)]],
                                  t_v[b], sem_t[b]).wait()
            pltpu.make_async_copy(efeat_hbm.at[pl.ds(base, K)],
                                  e_v[b], sem_e[b]).wait()
            pltpu.make_async_copy(dst_hbm.at[wid * NCH],
                                  dst_v[b], sem_d[b]).wait()

            @pl.loop(0, K)
            def _relu_rows(r):
                for cc in range(EMB // 16):
                    sl = pl.ds(cc * 16, 16)
                    e_v[b][r, sl] = jnp.maximum(t_v[b][r, sl] + e_v[b][r, sl],
                                                0.0)

            pltpu.sync_copy(e_v[b], acc_sh.at[dst_v[b]], add=True)

    plsc.subcore_barrier()
    pltpu.sync_copy(acc_sh.at[pl.ds(row0, ROWS_PER_TILE)],
                    part_hbm.at[c].at[pl.ds(row0, ROWS_PER_TILE)])


_sc_scatter = functools.partial(
    pl.kernel,
    out_type=jax.ShapeDtypeStruct((NC, N_ACC, EMB), jnp.float32),
    mesh=plsc.VectorSubcoreMesh(core_axis_name="c", subcore_axis_name="s",
                                num_cores=NC, num_subcores=NS),
    scratch_types=[
        pltpu.VMEM((EPW,), jnp.int32),
        pltpu.VMEM((K,), jnp.int32),
        pltpu.VMEM((K,), jnp.int32),
        pltpu.VMEM((K, EMB), jnp.float32),
        pltpu.VMEM((K, EMB), jnp.float32),
        pltpu.VMEM((K, EMB), jnp.float32),
        pltpu.VMEM((K, EMB), jnp.float32),
        pltpu.VMEM_SHARED((N_ACC, EMB), jnp.float32),
        pltpu.SemaphoreType.DMA,
        pltpu.SemaphoreType.DMA,
        pltpu.SemaphoreType.DMA,
        pltpu.SemaphoreType.DMA,
        pltpu.SemaphoreType.DMA,
        pltpu.SemaphoreType.DMA,
    ],
)(_sc_body)


def _final_body(p_ref, bc_ref, w_ref, b_ref, g_ref, beta_ref, o_ref):
    x = p_ref[0, :N_NODES, :] + p_ref[1, :N_NODES, :] + bc_ref[...]
    y = jnp.dot(x, w_ref[...], preferred_element_type=jnp.float32) + b_ref[...]
    m = jnp.mean(y, axis=-1, keepdims=True)
    d = y - m
    var = jnp.mean(d * d, axis=-1, keepdims=True)
    y = d * jax.lax.rsqrt(var + 1e-5) * g_ref[...] + beta_ref[...]
    o_ref[...] = jnp.maximum(y, 0.0)


def kernel(node_feature_view, augmented_view, edge_index, edge_attr,
           edge_time_emb, boundary_condition, msg_W, msg_b, lin_W, lin_b,
           ln_g, ln_beta):
    E = edge_index.shape[1]
    pad = E_PAD - E

    w_node_t = msg_W[:, :EMB].T
    w_edge_t = msg_W[:, EMB:].T
    edge_in = jnp.concatenate([edge_attr, edge_time_emb], axis=1)
    edge_in = jnp.pad(edge_in, ((0, pad), (0, 0)))
    src = jnp.pad(edge_index[0].astype(jnp.int32), (0, pad)).reshape(NW, EPW)
    dst = jnp.pad(edge_index[1].astype(jnp.int32), (0, pad),
                  constant_values=DUMMY_DST).reshape(NW * NCH, K)

    t_node = pl.pallas_call(
        _tnode_body,
        out_shape=jax.ShapeDtypeStruct((N_NODES, EMB), jnp.float32),
    )(node_feature_view, w_node_t)

    EB = 8192
    e_feat = pl.pallas_call(
        _efeat_body,
        grid=(E_PAD // EB,),
        in_specs=[
            pl.BlockSpec((EB, D_EDGE), lambda i: (i, 0)),
            pl.BlockSpec((D_EDGE, EMB), lambda i: (0, 0)),
            pl.BlockSpec((EMB,), lambda i: (0,)),
        ],
        out_specs=pl.BlockSpec((EB, EMB), lambda i: (i, 0)),
        out_shape=jax.ShapeDtypeStruct((E_PAD, EMB), jnp.float32),
    )(edge_in, w_edge_t, msg_b)

    part = _sc_scatter(t_node, e_feat, src, dst)

    out = pl.pallas_call(
        _final_body,
        out_shape=jax.ShapeDtypeStruct((N_NODES, EMB), jnp.float32),
    )(part, boundary_condition, lin_W.T, lin_b, ln_g, ln_beta)
    return out

# --- scband reference (transcript-rebuilt; emitter-appended) ---
"""Pipeline reference for scband-tsarlayer-58823872086496 (READ-ONLY COPY).

The authoritative reference and input builder live on the scoring server;
editing this copy changes nothing except your own understanding.
"""

import jax, jax.numpy as jnp
import numpy as np

EMB_DIM = 128
EDGE_ATTR_SIZE = 16
EDGE_TIME_EMB_SIZE = 16
N_NODES = 10000
N_EDGES = 320000


def setup_inputs(seed: int = 0) -> dict:
    key = jax.random.key(seed)
    ks = jax.random.split(key, 12)
    node_feature_view = jax.random.normal(ks[0], (N_NODES, EMB_DIM), dtype=jnp.float32)
    augmented_view = jax.random.normal(ks[1], (N_NODES, EMB_DIM), dtype=jnp.float32)
    edge_index = jax.random.randint(ks[2], (2, N_EDGES), 0, N_NODES, dtype=jnp.int64)
    edge_attr = jax.random.normal(ks[3], (N_EDGES, EDGE_ATTR_SIZE), dtype=jnp.float32)
    edge_time_emb = jax.random.normal(ks[4], (N_EDGES, EDGE_TIME_EMB_SIZE), dtype=jnp.float32)
    boundary_condition = jax.random.normal(ks[5], (N_NODES, EMB_DIM), dtype=jnp.float32)
    d_in = EMB_DIM + EDGE_ATTR_SIZE + EDGE_TIME_EMB_SIZE
    msg_W = jax.random.normal(ks[6], (EMB_DIM, d_in), dtype=jnp.float32) * (1.0 / np.sqrt(d_in))
    msg_b = jnp.zeros((EMB_DIM,), dtype=jnp.float32)
    lin_W = jax.random.normal(ks[7], (EMB_DIM, EMB_DIM), dtype=jnp.float32) * (1.0 / np.sqrt(EMB_DIM))
    lin_b = jnp.zeros((EMB_DIM,), dtype=jnp.float32)
    ln_g = jnp.ones((EMB_DIM,), dtype=jnp.float32)
    ln_beta = jnp.zeros((EMB_DIM,), dtype=jnp.float32)
    return {
        'node_feature_view': node_feature_view,
        'augmented_view': augmented_view,
        'edge_index': edge_index,
        'edge_attr': edge_attr,
        'edge_time_emb': edge_time_emb,
        'boundary_condition': boundary_condition,
        'msg_W': msg_W,
        'msg_b': msg_b,
        'lin_W': lin_W,
        'lin_b': lin_b,
        'ln_g': ln_g,
        'ln_beta': ln_beta,
    }


def reference(node_feature_view, augmented_view, edge_index, edge_attr, edge_time_emb,
              boundary_condition, msg_W, msg_b, lin_W, lin_b, ln_g, ln_beta):
    num_nodes = node_feature_view.shape[0]
    num_augmented_nodes = augmented_view.shape[0]
    # gather source-node features per edge
    msg = jnp.take(node_feature_view, edge_index[0], axis=0)
    msg = jnp.concatenate((msg, edge_attr, edge_time_emb), axis=1)
    msg = jax.nn.relu(msg @ msg_W.T + msg_b)
    # append boundary condition rows (self-loop messages)
    msg_aug = jnp.concatenate([msg, boundary_condition], axis=0)
    self_loop_index = jnp.arange(0, num_nodes, dtype=edge_index.dtype)
    idx_aug = jnp.concatenate([edge_index[1], self_loop_index])
    # scatter-add reduce over destination indices
    out = jax.ops.segment_sum(msg_aug, idx_aug, num_segments=num_augmented_nodes)
    out = out @ lin_W.T + lin_b
    # layer norm
    mean = jnp.mean(out, axis=-1, keepdims=True)
    var = jnp.var(out, axis=-1, keepdims=True)
    out = (out - mean) / jnp.sqrt(var + 1e-5) * ln_g + ln_beta
    out = jax.nn.relu(out)
    # dropout is identity in eval mode
    return out

if __name__ == "__main__":
    import jax
    _d = setup_inputs()
    print(jax.jit(kernel)(*tuple(_d.values())))

</pallas_src>

<mosaic_0001>
#map = affine_map<(d0, d1) -> (0, 0)>
#map1 = affine_map<(d0, d1) -> (0, 0, 0)>
module attributes {stable_mosaic.version = 14 : i64} {
  func.func @_sc_body(%arg0: i32, %arg1: i32, %arg2: memref<10000x128xf32, #tpu.memory_space<hbm>>, %arg3: memref<327680x128xf32, #tpu.memory_space<hbm>>, %arg4: memref<32x10240xi32, #tpu.memory_space<hbm>>, %arg5: memref<5120x64xi32, #tpu.memory_space<hbm>>, %arg6: memref<2x10240x128xf32, #tpu.memory_space<hbm>>, %arg7: memref<10240xi32, #tpu.memory_space<vmem>>, %arg8: memref<64xi32, #tpu.memory_space<vmem>>, %arg9: memref<64xi32, #tpu.memory_space<vmem>>, %arg10: memref<64x128xf32, #tpu.memory_space<vmem>>, %arg11: memref<64x128xf32, #tpu.memory_space<vmem>>, %arg12: memref<64x128xf32, #tpu.memory_space<vmem>>, %arg13: memref<64x128xf32, #tpu.memory_space<vmem>>, %arg14: memref<10240x128xf32, #tpu.memory_space<vmem_shared>>, %arg15: memref<!tpu.dma_semaphore, #tpu.memory_space<semaphore_mem>>, %arg16: memref<!tpu.dma_semaphore, #tpu.memory_space<semaphore_mem>>, %arg17: memref<!tpu.dma_semaphore, #tpu.memory_space<semaphore_mem>>, %arg18: memref<!tpu.dma_semaphore, #tpu.memory_space<semaphore_mem>>, %arg19: memref<!tpu.dma_semaphore, #tpu.memory_space<semaphore_mem>>, %arg20: memref<!tpu.dma_semaphore, #tpu.memory_space<semaphore_mem>>) attributes {dimension_semantics = [#tpu.dimension_semantics<core_parallel>, #tpu.dimension_semantics<subcore_parallel>], iteration_bounds = array<i64: 2, 16>, scalar_prefetch = 0 : i64, scratch_operands = 14 : i64, tpu.core_type = #tpu.core_type<sc_vector_subcore>, window_params = [{transform_indices = #map}, {transform_indices = #map}, {transform_indices = #map}, {transform_indices = #map}, {transform_indices = #map1}]} {
    %mul3A = arith.constant 16 : i32
    %mul3A_0 = arith.muli %arg0, %mul3A : i32
    %add3A = arith.addi %mul3A_0, %arg1 : i32
    "tpu.region"() ({
      %run_scoped3A = tpu.sem_alloc : memref<!tpu.dma_semaphore, #tpu.memory_space<semaphore_mem>>
      %dma_start3A_52 = arith.constant 0 : i32
      %dma_start3A_53 = tpu.memref_slice %arg4[%add3A, %dma_start3A_52] : memref<32x10240xi32, #tpu.memory_space<hbm>> -> memref<1x10240xi32, #tpu.memory_space<hbm>>
      %dma_start3A_54 = tpu.memref_squeeze %dma_start3A_53 : memref<1x10240xi32, #tpu.memory_space<hbm>> -> memref<10240xi32, #tpu.memory_space<hbm>>
      %dma_start3A_55 = arith.constant 0 : i32
      %dma_start3A_56 = tpu.memref_slice %arg4[%add3A, %dma_start3A_55] : memref<32x10240xi32, #tpu.memory_space<hbm>> -> memref<1x10240xi32, #tpu.memory_space<hbm>>
      %dma_start3A_57 = tpu.memref_squeeze %dma_start3A_56 : memref<1x10240xi32, #tpu.memory_space<hbm>> -> memref<10240xi32, #tpu.memory_space<hbm>>
      tpu.enqueue_dma source(%dma_start3A_57 : memref<10240xi32, #tpu.memory_space<hbm>>) target(%arg7 : memref<10240xi32, #tpu.memory_space<vmem>>) target_semaphore(%run_scoped3A : memref<!tpu.dma_semaphore, #tpu.memory_space<semaphore_mem>>)
      %dma_wait3A = arith.constant 0 : i32
      %dma_wait3A_58 = tpu.memref_slice %arg4[%add3A, %dma_wait3A] : memref<32x10240xi32, #tpu.memory_space<hbm>> -> memref<1x10240xi32, #tpu.memory_space<hbm>>
      %dma_wait3A_59 = tpu.memref_squeeze %dma_wait3A_58 : memref<1x10240xi32, #tpu.memory_space<hbm>> -> memref<10240xi32, #tpu.memory_space<hbm>>
      %dma_wait3A_60 = arith.constant 0 : i32
      %dma_wait3A_61 = tpu.memref_slice %arg4[%add3A, %dma_wait3A_60] : memref<32x10240xi32, #tpu.memory_space<hbm>> -> memref<1x10240xi32, #tpu.memory_space<hbm>>
      %dma_wait3A_62 = tpu.memref_squeeze %dma_wait3A_61 : memref<1x10240xi32, #tpu.memory_space<hbm>> -> memref<10240xi32, #tpu.memory_space<hbm>>
      tpu.wait_dma2 semaphore(%run_scoped3A : memref<!tpu.dma_semaphore, #tpu.memory_space<semaphore_mem>>) src(%dma_wait3A_62 : memref<10240xi32, #tpu.memory_space<hbm>>) dst(%arg7 : memref<10240xi32, #tpu.memory_space<vmem>>)
      tpu.yield
    }) : () -> ()
    %broadcast_in_dim3A = arith.constant 0.000000e+00 : f32
    %broadcast_in_dim3A_1 = vector.broadcast %broadcast_in_dim3A : f32 to vector<16xf32>
    %scan3A = arith.constant 0 : i32
    %scan3A_2 = arith.constant 64 : i32
    %scan3A_3 = arith.addi %scan3A, %scan3A_2 : i32
    %scan3A_4 = arith.constant 1 : i32
    scf.for %scan3A_52 = %scan3A to %scan3A_3 step %scan3A_4  : i32 {
      %mul3A_53 = arith.constant 1 : i32
      %mul3A_54 = arith.muli %scan3A_52, %mul3A_53 : i32
      %add3A_55 = arith.constant 0 : i32
      %add3A_56 = arith.addi %add3A_55, %mul3A_54 : i32
      %swap3A = arith.index_cast %add3A_56 : i32 to index
      %swap3A_57 = arith.constant 0 : index
      %swap3A_58 = tpu.vector_load %arg10[%swap3A, %swap3A_57] {strides = array<i32>} : memref<64x128xf32, #tpu.memory_space<vmem>>, vector<1x16xf32>,
      %swap3A_59 = vector.shape_cast %swap3A_58 : vector<1x16xf32> to vector<16xf32>
      %swap3A_60 = vector.shape_cast %broadcast_in_dim3A_1 : vector<16xf32> to vector<1x16xf32>
      tpu.vector_store %arg10[%swap3A, %swap3A_57], %swap3A_60 {strides = array<i32>} : memref<64x128xf32, #tpu.memory_space<vmem>>, vector<1x16xf32>,
      %swap3A_61 = arith.index_cast %add3A_56 : i32 to index
      %swap3A_62 = arith.constant 16 : index
      %swap3A_63 = tpu.vector_load %arg10[%swap3A_61, %swap3A_62] {strides = array<i32>} : memref<64x128xf32, #tpu.memory_space<vmem>>, vector<1x16xf32>,
      %swap3A_64 = vector.shape_cast %swap3A_63 : vector<1x16xf32> to vector<16xf32>
      %swap3A_65 = vector.shape_cast %broadcast_in_dim3A_1 : vector<16xf32> to vector<1x16xf32>
      tpu.vector_store %arg10[%swap3A_61, %swap3A_62], %swap3A_65 {strides = array<i32>} : memref<64x128xf32, #tpu.memory_space<vmem>>, vector<1x16xf32>,
      %swap3A_66 = arith.index_cast %add3A_56 : i32 to index
      %swap3A_67 = arith.constant 32 : index
      %swap3A_68 = tpu.vector_load %arg10[%swap3A_66, %swap3A_67] {strides = array<i32>} : memref<64x128xf32, #tpu.memory_space<vmem>>, vector<1x16xf32>,
      %swap3A_69 = vector.shape_cast %swap3A_68 : vector<1x16xf32> to vector<16xf32>
      %swap3A_70 = vector.shape_cast %broadcast_in_dim3A_1 : vector<16xf32> to vector<1x16xf32>
      tpu.vector_store %arg10[%swap3A_66, %swap3A_67], %swap3A_70 {strides = array<i32>} : memref<64x128xf32, #tpu.memory_space<vmem>>, vector<1x16xf32>,
      %swap3A_71 = arith.index_cast %add3A_56 : i32 to index
      %swap3A_72 = arith.constant 48 : index
      %swap3A_73 = tpu.vector_load %arg10[%swap3A_71, %swap3A_72] {strides = array<i32>} : memref<64x128xf32, #tpu.memory_space<vmem>>, vector<1x16xf32>,
      %swap3A_74 = vector.shape_cast %swap3A_73 : vector<1x16xf32> to vector<16xf32>
      %swap3A_75 = vector.shape_cast %broadcast_in_dim3A_1 : vector<16xf32> to vector<1x16xf32>
      tpu.vector_store %arg10[%swap3A_71, %swap3A_72], %swap3A_75 {strides = array<i32>} : memref<64x128xf32, #tpu.memory_space<vmem>>, vector<1x16xf32>,
      %swap3A_76 = arith.index_cast %add3A_56 : i32 to index
      %swap3A_77 = arith.constant 64 : index
      %swap3A_78 = tpu.vector_load %arg10[%swap3A_76, %swap3A_77] {strides = array<i32>} : memref<64x128xf32, #tpu.memory_space<vmem>>, vector<1x16xf32>,
      %swap3A_79 = vector.shape_cast %swap3A_78 : vector<1x16xf32> to vector<16xf32>
      %swap3A_80 = vector.shape_cast %broadcast_in_dim3A_1 : vector<16xf32> to vector<1x16xf32>
      tpu.vector_store %arg10[%swap3A_76, %swap3A_77], %swap3A_80 {strides = array<i32>} : memref<64x128xf32, #tpu.memory_space<vmem>>, vector<1x16xf32>,
      %swap3A_81 = arith.index_cast %add3A_56 : i32 to index
      %swap3A_82 = arith.constant 80 : index
      %swap3A_83 = tpu.vector_load %arg10[%swap3A_81, %swap3A_82] {strides = array<i32>} : memref<64x128xf32, #tpu.memory_space<vmem>>, vector<1x16xf32>,
      %swap3A_84 = vector.shape_cast %swap3A_83 : vector<1x16xf32> to vector<16xf32>
      %swap3A_85 = vector.shape_cast %broadcast_in_dim3A_1 : vector<16xf32> to vector<1x16xf32>
      tpu.vector_store %arg10[%swap3A_81, %swap3A_82], %swap3A_85 {strides = array<i32>} : memref<64x128xf32, #tpu.memory_space<vmem>>, vector<1x16xf32>,
      %swap3A_86 = arith.index_cast %add3A_56 : i32 to index
      %swap3A_87 = arith.constant 96 : index
      %swap3A_88 = tpu.vector_load %arg10[%swap3A_86, %swap3A_87] {strides = array<i32>} : memref<64x128xf32, #tpu.memory_space<vmem>>, vector<1x16xf32>,
      %swap3A_89 = vector.shape_cast %swap3A_88 : vector<1x16xf32> to vector<16xf32>
      %swap3A_90 = vector.shape_cast %broadcast_in_dim3A_1 : vector<16xf32> to vector<1x16xf32>
      tpu.vector_store %arg10[%swap3A_86, %swap3A_87], %swap3A_90 {strides = array<i32>} : memref<64x128xf32, #tpu.memory_space<vmem>>, vector<1x16xf32>,
      %swap3A_91 = arith.index_cast %add3A_56 : i32 to index
      %swap3A_92 = arith.constant 112 : index
      %swap3A_93 = tpu.vector_load %arg10[%swap3A_91, %swap3A_92] {strides = array<i32>} : memref<64x128xf32, #tpu.memory_space<vmem>>, vector<1x16xf32>,
      %swap3A_94 = vector.shape_cast %swap3A_93 : vector<1x16xf32> to vector<16xf32>
      %swap3A_95 = vector.shape_cast %broadcast_in_dim3A_1 : vector<16xf32> to vector<1x16xf32>
      tpu.vector_store %arg10[%swap3A_91, %swap3A_92], %swap3A_95 {strides = array<i32>} : memref<64x128xf32, #tpu.memory_space<vmem>>, vector<1x16xf32>,
    }
    %scan3A_5 = arith.constant 64 : i32
    %mul3A_6 = arith.constant 640 : i32
    %mul3A_7 = arith.muli %arg1, %mul3A_6 : i32
    %add3A_8 = arith.constant 0 : i32
    %add3A_9 = arith.addi %mul3A_7, %add3A_8 : i32
    "tpu.region"() ({
      %run_scoped3A = tpu.sem_alloc : memref<!tpu.dma_semaphore, #tpu.memory_space<semaphore_mem>>
      %dma_start3A_52 = arith.constant 0 : i32
      %dma_start3A_53 = tpu.memref_slice %arg14[%add3A_9, %dma_start3A_52] : memref<10240x128xf32, #tpu.memory_space<vmem_shared>> -> memref<64x128xf32, #tpu.memory_space<vmem_shared>>
      %dma_start3A_54 = arith.constant 0 : i32
      %dma_start3A_55 = tpu.memref_slice %arg14[%add3A_9, %dma_start3A_54] : memref<10240x128xf32, #tpu.memory_space<vmem_shared>> -> memref<64x128xf32, #tpu.memory_space<vmem_shared>>
      tpu.enqueue_dma source(%arg10 : memref<64x128xf32, #tpu.memory_space<vmem>>) target(%dma_start3A_55 : memref<64x128xf32, #tpu.memory_space<vmem_shared>>) target_semaphore(%run_scoped3A : memref<!tpu.dma_semaphore, #tpu.memory_space<semaphore_mem>>)
      %dma_wait3A = arith.constant 0 : i32
      %dma_wait3A_56 = tpu.memref_slice %arg14[%add3A_9, %dma_wait3A] : memref<10240x128xf32, #tpu.memory_space<vmem_shared>> -> memref<64x128xf32, #tpu.memory_space<vmem_shared>>
      %dma_wait3A_57 = arith.constant 0 : i32
      %dma_wait3A_58 = tpu.memref_slice %arg14[%add3A_9, %dma_wait3A_57] : memref<10240x128xf32, #tpu.memory_space<vmem_shared>> -> memref<64x128xf32, #tpu.memory_space<vmem_shared>>
      tpu.wait_dma2 semaphore(%run_scoped3A : memref<!tpu.dma_semaphore, #tpu.memory_space<semaphore_mem>>) src(%arg10 : memref<64x128xf32, #tpu.memory_space<vmem>>) dst(%dma_wait3A_58 : memref<64x128xf32, #tpu.memory_space<vmem_shared>>)
      tpu.yield
    }) : () -> ()
    %add3A_10 = arith.constant 64 : i32
    %add3A_11 = arith.addi %mul3A_7, %add3A_10 : i32
    "tpu.region"() ({
      %run_scoped3A = tpu.sem_alloc : memref<!tpu.dma_semaphore, #tpu.memory_space<semaphore_mem>>
      %dma_start3A_52 = arith.constant 0 : i32
      %dma_start3A_53 = tpu.memref_slice %arg14[%add3A_11, %dma_start3A_52] : memref<10240x128xf32, #tpu.memory_space<vmem_shared>> -> memref<64x128xf32, #tpu.memory_space<vmem_shared>>
      %dma_start3A_54 = arith.constant 0 : i32
      %dma_start3A_55 = tpu.memref_slice %arg14[%add3A_11, %dma_start3A_54] : memref<10240x128xf32, #tpu.memory_space<vmem_shared>> -> memref<64x128xf32, #tpu.memory_space<vmem_shared>>
      tpu.enqueue_dma source(%arg10 : memref<64x128xf32, #tpu.memory_space<vmem>>) target(%dma_start3A_55 : memref<64x128xf32, #tpu.memory_space<vmem_shared>>) target_semaphore(%run_scoped3A : memref<!tpu.dma_semaphore, #tpu.memory_space<semaphore_mem>>)
      %dma_wait3A = arith.constant 0 : i32
      %dma_wait3A_56 = tpu.memref_slice %arg14[%add3A_11, %dma_wait3A] : memref<10240x128xf32, #tpu.memory_space<vmem_shared>> -> memref<64x128xf32, #tpu.memory_space<vmem_shared>>
      %dma_wait3A_57 = arith.constant 0 : i32
      %dma_wait3A_58 = tpu.memref_slice %arg14[%add3A_11, %dma_wait3A_57] : memref<10240x128xf32, #tpu.memory_space<vmem_shared>> -> memref<64x128xf32, #tpu.memory_space<vmem_shared>>
      tpu.wait_dma2 semaphore(%run_scoped3A : memref<!tpu.dma_semaphore, #tpu.memory_space<semaphore_mem>>) src(%arg10 : memref<64x128xf32, #tpu.memory_space<vmem>>) dst(%dma_wait3A_58 : memref<64x128xf32, #tpu.memory_space<vmem_shared>>)
      tpu.yield
    }) : () -> ()
    %add3A_12 = arith.constant 128 : i32
    %add3A_13 = arith.addi %mul3A_7, %add3A_12 : i32
    "tpu.region"() ({
      %run_scoped3A = tpu.sem_alloc : memref<!tpu.dma_semaphore, #tpu.memory_space<semaphore_mem>>
      %dma_start3A_52 = arith.constant 0 : i32
      %dma_start3A_53 = tpu.memref_slice %arg14[%add3A_13, %dma_start3A_52] : memref<10240x128xf32, #tpu.memory_space<vmem_shared>> -> memref<64x128xf32, #tpu.memory_space<vmem_shared>>
      %dma_start3A_54 = arith.constant 0 : i32
      %dma_start3A_55 = tpu.memref_slice %arg14[%add3A_13, %dma_start3A_54] : memref<10240x128xf32, #tpu.memory_space<vmem_shared>> -> memref<64x128xf32, #tpu.memory_space<vmem_shared>>
      tpu.enqueue_dma source(%arg10 : memref<64x128xf32, #tpu.memory_space<vmem>>) target(%dma_start3A_55 : memref<64x128xf32, #tpu.memory_space<vmem_shared>>) target_semaphore(%run_scoped3A : memref<!tpu.dma_semaphore, #tpu.memory_space<semaphore_mem>>)
      %dma_wait3A = arith.constant 0 : i32
      %dma_wait3A_56 = tpu.memref_slice %arg14[%add3A_13, %dma_wait3A] : memref<10240x128xf32, #tpu.memory_space<vmem_shared>> -> memref<64x128xf32, #tpu.memory_space<vmem_shared>>
      %dma_wait3A_57 = arith.constant 0 : i32
      %dma_wait3A_58 = tpu.memref_slice %arg14[%add3A_13, %dma_wait3A_57] : memref<10240x128xf32, #tpu.memory_space<vmem_shared>> -> memref<64x128xf32, #tpu.memory_space<vmem_shared>>
      tpu.wait_dma2 semaphore(%run_scoped3A : memref<!tpu.dma_semaphore, #tpu.memory_space<semaphore_mem>>) src(%arg10 : memref<64x128xf32, #tpu.memory_space<vmem>>) dst(%dma_wait3A_58 : memref<64x128xf32, #tpu.memory_space<vmem_shared>>)
      tpu.yield
    }) : () -> ()
    %add3A_14 = arith.constant 192 : i32
    %add3A_15 = arith.addi %mul3A_7, %add3A_14 : i32
    "tpu.region"() ({
      %run_scoped3A = tpu.sem_alloc : memref<!tpu.dma_semaphore, #tpu.memory_space<semaphore_mem>>
      %dma_start3A_52 = arith.constant 0 : i32
      %dma_start3A_53 = tpu.memref_slice %arg14[%add3A_15, %dma_start3A_52] : memref<10240x128xf32, #tpu.memory_space<vmem_shared>> -> memref<64x128xf32, #tpu.memory_space<vmem_shared>>
      %dma_start3A_54 = arith.constant 0 : i32
      %dma_start3A_55 = tpu.memref_slice %arg14[%add3A_15, %dma_start3A_54] : memref<10240x128xf32, #tpu.memory_space<vmem_shared>> -> memref<64x128xf32, #tpu.memory_space<vmem_shared>>
      tpu.enqueue_dma source(%arg10 : memref<64x128xf32, #tpu.memory_space<vmem>>) target(%dma_start3A_55 : memref<64x128xf32, #tpu.memory_space<vmem_shared>>) target_semaphore(%run_scoped3A : memref<!tpu.dma_semaphore, #tpu.memory_space<semaphore_mem>>)
      %dma_wait3A = arith.constant 0 : i32
      %dma_wait3A_56 = tpu.memref_slice %arg14[%add3A_15, %dma_wait3A] : memref<10240x128xf32, #tpu.memory_space<vmem_shared>> -> memref<64x128xf32, #tpu.memory_space<vmem_shared>>
      %dma_wait3A_57 = arith.constant 0 : i32
      %dma_wait3A_58 = tpu.memref_slice %arg14[%add3A_15, %dma_wait3A_57] : memref<10240x128xf32, #tpu.memory_space<vmem_shared>> -> memref<64x128xf32, #tpu.memory_space<vmem_shared>>
      tpu.wait_dma2 semaphore(%run_scoped3A : memref<!tpu.dma_semaphore, #tpu.memory_space<semaphore_mem>>) src(%arg10 : memref<64x128xf32, #tpu.memory_space<vmem>>) dst(%dma_wait3A_58 : memref<64x128xf32, #tpu.memory_space<vmem_shared>>)
      tpu.yield
    }) : () -> ()
    %add3A_16 = arith.constant 256 : i32
    %add3A_17 = arith.addi %mul3A_7, %add3A_16 : i32
    "tpu.region"() ({
      %run_scoped3A = tpu.sem_alloc : memref<!tpu.dma_semaphore, #tpu.memory_space<semaphore_mem>>
      %dma_start3A_52 = arith.constant 0 : i32
      %dma_start3A_53 = tpu.memref_slice %arg14[%add3A_17, %dma_start3A_52] : memref<10240x128xf32, #tpu.memory_space<vmem_shared>> -> memref<64x128xf32, #tpu.memory_space<vmem_shared>>
      %dma_start3A_54 = arith.constant 0 : i32
      %dma_start3A_55 = tpu.memref_slice %arg14[%add3A_17, %dma_start3A_54] : memref<10240x128xf32, #tpu.memory_space<vmem_shared>> -> memref<64x128xf32, #tpu.memory_space<vmem_shared>>
      tpu.enqueue_dma source(%arg10 : memref<64x128xf32, #tpu.memory_space<vmem>>) target(%dma_start3A_55 : memref<64x128xf32, #tpu.memory_space<vmem_shared>>) target_semaphore(%run_scoped3A : memref<!tpu.dma_semaphore, #tpu.memory_space<semaphore_mem>>)
      %dma_wait3A = arith.constant 0 : i32
      %dma_wait3A_56 = tpu.memref_slice %arg14[%add3A_17, %dma_wait3A] : memref<10240x128xf32, #tpu.memory_space<vmem_shared>> -> memref<64x128xf32, #tpu.memory_space<vmem_shared>>
      %dma_wait3A_57 = arith.constant 0 : i32
      %dma_wait3A_58 = tpu.memref_slice %arg14[%add3A_17, %dma_wait3A_57] : memref<10240x128xf32, #tpu.memory_space<vmem_shared>> -> memref<64x128xf32, #tpu.memory_space<vmem_shared>>
      tpu.wait_dma2 semaphore(%run_scoped3A : memref<!tpu.dma_semaphore, #tpu.memory_space<semaphore_mem>>) src(%arg10 : memref<64x128xf32, #tpu.memory_space<vmem>>) dst(%dma_wait3A_58 : memref<64x128xf32, #tpu.memory_space<vmem_shared>>)
      tpu.yield
    }) : () -> ()
    %add3A_18 = arith.constant 320 : i32
    %add3A_19 = arith.addi %mul3A_7, %add3A_18 : i32
    "tpu.region"() ({
      %run_scoped3A = tpu.sem_alloc : memref<!tpu.dma_semaphore, #tpu.memory_space<semaphore_mem>>
      %dma_start3A_52 = arith.constant 0 : i32
      %dma_start3A_53 = tpu.memref_slice %arg14[%add3A_19, %dma_start3A_52] : memref<10240x128xf32, #tpu.memory_space<vmem_shared>> -> memref<64x128xf32, #tpu.memory_space<vmem_shared>>
      %dma_start3A_54 = arith.constant 0 : i32
      %dma_start3A_55 = tpu.memref_slice %arg14[%add3A_19, %dma_start3A_54] : memref<10240x128xf32, #tpu.memory_space<vmem_shared>> -> memref<64x128xf32, #tpu.memory_space<vmem_shared>>
      tpu.enqueue_dma source(%arg10 : memref<64x128xf32, #tpu.memory_space<vmem>>) target(%dma_start3A_55 : memref<64x128xf32, #tpu.memory_space<vmem_shared>>) target_semaphore(%run_scoped3A : memref<!tpu.dma_semaphore, #tpu.memory_space<semaphore_mem>>)
      %dma_wait3A = arith.constant 0 : i32
      %dma_wait3A_56 = tpu.memref_slice %arg14[%add3A_19, %dma_wait3A] : memref<10240x128xf32, #tpu.memory_space<vmem_shared>> -> memref<64x128xf32, #tpu.memory_space<vmem_shared>>
      %dma_wait3A_57 = arith.constant 0 : i32
      %dma_wait3A_58 = tpu.memref_slice %arg14[%add3A_19, %dma_wait3A_57] : memref<10240x128xf32, #tpu.memory_space<vmem_shared>> -> memref<64x128xf32, #tpu.memory_space<vmem_shared>>
      tpu.wait_dma2 semaphore(%run_scoped3A : memref<!tpu.dma_semaphore, #tpu.memory_space<semaphore_mem>>) src(%arg10 : memref<64x128xf32, #tpu.memory_space<vmem>>) dst(%dma_wait3A_58 : memref<64x128xf32, #tpu.memory_space<vmem_shared>>)
      tpu.yield
    }) : () -> ()
    %add3A_20 = arith.constant 384 : i32
    %add3A_21 = arith.addi %mul3A_7, %add3A_20 : i32
    "tpu.region"() ({
      %run_scoped3A = tpu.sem_alloc : memref<!tpu.dma_semaphore, #tpu.memory_space<semaphore_mem>>
      %dma_start3A_52 = arith.constant 0 : i32
      %dma_start3A_53 = tpu.memref_slice %arg14[%add3A_21, %dma_start3A_52] : memref<10240x128xf32, #tpu.memory_space<vmem_shared>> -> memref<64x128xf32, #tpu.memory_space<vmem_shared>>
      %dma_start3A_54 = arith.constant 0 : i32
      %dma_start3A_55 = tpu.memref_slice %arg14[%add3A_21, %dma_start3A_54] : memref<10240x128xf32, #tpu.memory_space<vmem_shared>> -> memref<64x128xf32, #tpu.memory_space<vmem_shared>>
      tpu.enqueue_dma source(%arg10 : memref<64x128xf32, #tpu.memory_space<vmem>>) target(%dma_start3A_55 : memref<64x128xf32, #tpu.memory_space<vmem_shared>>) target_semaphore(%run_scoped3A : memref<!tpu.dma_semaphore, #tpu.memory_space<semaphore_mem>>)
      %dma_wait3A = arith.constant 0 : i32
      %dma_wait3A_56 = tpu.memref_slice %arg14[%add3A_21, %dma_wait3A] : memref<10240x128xf32, #tpu.memory_space<vmem_shared>> -> memref<64x128xf32, #tpu.memory_space<vmem_shared>>
      %dma_wait3A_57 = arith.constant 0 : i32
      %dma_wait3A_58 = tpu.memref_slice %arg14[%add3A_21, %dma_wait3A_57] : memref<10240x128xf32, #tpu.memory_space<vmem_shared>> -> memref<64x128xf32, #tpu.memory_space<vmem_shared>>
      tpu.wait_dma2 semaphore(%run_scoped3A : memref<!tpu.dma_semaphore, #tpu.memory_space<semaphore_mem>>) src(%arg10 : memref<64x128xf32, #tpu.memory_space<vmem>>) dst(%dma_wait3A_58 : memref<64x128xf32, #tpu.memory_space<vmem_shared>>)
      tpu.yield
    }) : () -> ()
    %add3A_22 = arith.constant 448 : i32
    %add3A_23 = arith.addi %mul3A_7, %add3A_22 : i32
    "tpu.region"() ({
      %run_scoped3A = tpu.sem_alloc : memref<!tpu.dma_semaphore, #tpu.memory_space<semaphore_mem>>
      %dma_start3A_52 = arith.constant 0 : i32
      %dma_start3A_53 = tpu.memref_slice %arg14[%add3A_23, %dma_start3A_52] : memref<10240x128xf32, #tpu.memory_space<vmem_shared>> -> memref<64x128xf32, #tpu.memory_space<vmem_shared>>
      %dma_start3A_54 = arith.constant 0 : i32
      %dma_start3A_55 = tpu.memref_slice %arg14[%add3A_23, %dma_start3A_54] : memref<10240x128xf32, #tpu.memory_space<vmem_shared>> -> memref<64x128xf32, #tpu.memory_space<vmem_shared>>
      tpu.enqueue_dma source(%arg10 : memref<64x128xf32, #tpu.memory_space<vmem>>) target(%dma_start3A_55 : memref<64x128xf32, #tpu.memory_space<vmem_shared>>) target_semaphore(%run_scoped3A : memref<!tpu.dma_semaphore, #tpu.memory_space<semaphore_mem>>)
      %dma_wait3A = arith.constant 0 : i32
      %dma_wait3A_56 = tpu.memref_slice %arg14[%add3A_23, %dma_wait3A] : memref<10240x128xf32, #tpu.memory_space<vmem_shared>> -> memref<64x128xf32, #tpu.memory_space<vmem_shared>>
      %dma_wait3A_57 = arith.constant 0 : i32
      %dma_wait3A_58 = tpu.memref_slice %arg14[%add3A_23, %dma_wait3A_57] : memref<10240x128xf32, #tpu.memory_space<vmem_shared>> -> memref<64x128xf32, #tpu.memory_space<vmem_shared>>
      tpu.wait_dma2 semaphore(%run_scoped3A : memref<!tpu.dma_semaphore, #tpu.memory_space<semaphore_mem>>) src(%arg10 : memref<64x128xf32, #tpu.memory_space<vmem>>) dst(%dma_wait3A_58 : memref<64x128xf32, #tpu.memory_space<vmem_shared>>)
      tpu.yield
    }) : () -> ()
    %add3A_24 = arith.constant 512 : i32
    %add3A_25 = arith.addi %mul3A_7, %add3A_24 : i32
    "tpu.region"() ({
      %run_scoped3A = tpu.sem_alloc : memref<!tpu.dma_semaphore, #tpu.memory_space<semaphore_mem>>
      %dma_start3A_52 = arith.constant 0 : i32
      %dma_start3A_53 = tpu.memref_slice %arg14[%add3A_25, %dma_start3A_52] : memref<10240x128xf32, #tpu.memory_space<vmem_shared>> -> memref<64x128xf32, #tpu.memory_space<vmem_shared>>
      %dma_start3A_54 = arith.constant 0 : i32
      %dma_start3A_55 = tpu.memref_slice %arg14[%add3A_25, %dma_start3A_54] : memref<10240x128xf32, #tpu.memory_space<vmem_shared>> -> memref<64x128xf32, #tpu.memory_space<vmem_shared>>
      tpu.enqueue_dma source(%arg10 : memref<64x128xf32, #tpu.memory_space<vmem>>) target(%dma_start3A_55 : memref<64x128xf32, #tpu.memory_space<vmem_shared>>) target_semaphore(%run_scoped3A : memref<!tpu.dma_semaphore, #tpu.memory_space<semaphore_mem>>)
      %dma_wait3A = arith.constant 0 : i32
      %dma_wait3A_56 = tpu.memref_slice %arg14[%add3A_25, %dma_wait3A] : memref<10240x128xf32, #tpu.memory_space<vmem_shared>> -> memref<64x128xf32, #tpu.memory_space<vmem_shared>>
      %dma_wait3A_57 = arith.constant 0 : i32
      %dma_wait3A_58 = tpu.memref_slice %arg14[%add3A_25, %dma_wait3A_57] : memref<10240x128xf32, #tpu.memory_space<vmem_shared>> -> memref<64x128xf32, #tpu.memory_space<vmem_shared>>
      tpu.wait_dma2 semaphore(%run_scoped3A : memref<!tpu.dma_semaphore, #tpu.memory_space<semaphore_mem>>) src(%arg10 : memref<64x128xf32, #tpu.memory_space<vmem>>) dst(%dma_wait3A_58 : memref<64x128xf32, #tpu.memory_space<vmem_shared>>)
      tpu.yield
    }) : () -> ()
    %add3A_26 = arith.constant 576 : i32
    %add3A_27 = arith.addi %mul3A_7, %add3A_26 : i32
    "tpu.region"() ({
      %run_scoped3A = tpu.sem_alloc : memref<!tpu.dma_semaphore, #tpu.memory_space<semaphore_mem>>
      %dma_start3A_52 = arith.constant 0 : i32
      %dma_start3A_53 = tpu.memref_slice %arg14[%add3A_27, %dma_start3A_52] : memref<10240x128xf32, #tpu.memory_space<vmem_shared>> -> memref<64x128xf32, #tpu.memory_space<vmem_shared>>
      %dma_start3A_54 = arith.constant 0 : i32
      %dma_start3A_55 = tpu.memref_slice %arg14[%add3A_27, %dma_start3A_54] : memref<10240x128xf32, #tpu.memory_space<vmem_shared>> -> memref<64x128xf32, #tpu.memory_space<vmem_shared>>
      tpu.enqueue_dma source(%arg10 : memref<64x128xf32, #tpu.memory_space<vmem>>) target(%dma_start3A_55 : memref<64x128xf32, #tpu.memory_space<vmem_shared>>) target_semaphore(%run_scoped3A : memref<!tpu.dma_semaphore, #tpu.memory_space<semaphore_mem>>)
      %dma_wait3A = arith.constant 0 : i32
      %dma_wait3A_56 = tpu.memref_slice %arg14[%add3A_27, %dma_wait3A] : memref<10240x128xf32, #tpu.memory_space<vmem_shared>> -> memref<64x128xf32, #tpu.memory_space<vmem_shared>>
      %dma_wait3A_57 = arith.constant 0 : i32
      %dma_wait3A_58 = tpu.memref_slice %arg14[%add3A_27, %dma_wait3A_57] : memref<10240x128xf32, #tpu.memory_space<vmem_shared>> -> memref<64x128xf32, #tpu.memory_space<vmem_shared>>
      tpu.wait_dma2 semaphore(%run_scoped3A : memref<!tpu.dma_semaphore, #tpu.memory_space<semaphore_mem>>) src(%arg10 : memref<64x128xf32, #tpu.memory_space<vmem>>) dst(%dma_wait3A_58 : memref<64x128xf32, #tpu.memory_space<vmem_shared>>)
      tpu.yield
    }) : () -> ()
    %barrier3A = arith.constant 0 : index
    tpu.barrier barrier_id(%barrier3A)
    %mul3A_28 = arith.constant 10240 : i32
    %mul3A_29 = arith.muli %add3A, %mul3A_28 : i32
    %dma_start3A = arith.constant 0 : i32
    %dma_start3A_30 = tpu.memref_slice %arg7[%dma_start3A] : memref<10240xi32, #tpu.memory_space<vmem>> -> memref<64xi32, #tpu.memory_space<vmem>>
    %dma_start3A_31 = arith.constant 0 : i32
    %dma_start3A_32 = arith.constant 0 : i32
    %dma_start3A_33 = tpu.memref_slice %arg2[%dma_start3A_31, %dma_start3A_32] : memref<10000x128xf32, #tpu.memory_space<hbm>> -> memref<10000x128xf32, #tpu.memory_space<hbm>>
    tpu.enqueue_indirect_dma source(%dma_start3A_33 : memref<10000x128xf32, #tpu.memory_space<hbm>>) target(%arg10 : memref<64x128xf32, #tpu.memory_space<vmem>>) offsets(%dma_start3A_30 : memref<64xi32, #tpu.memory_space<vmem>>) semaphore(%arg15 : memref<!tpu.dma_semaphore, #tpu.memory_space<semaphore_mem>>)
    %dma_start3A_34 = arith.constant 0 : i32
    %dma_start3A_35 = tpu.memref_slice %arg3[%mul3A_29, %dma_start3A_34] : memref<327680x128xf32, #tpu.memory_space<hbm>> -> memref<64x128xf32, #tpu.memory_space<hbm>>
    %dma_start3A_36 = arith.constant 0 : i32
    %dma_start3A_37 = tpu.memref_slice %arg3[%mul3A_29, %dma_start3A_36] : memref<327680x128xf32, #tpu.memory_space<hbm>> -> memref<64x128xf32, #tpu.memory_space<hbm>>
    tpu.enqueue_dma source(%dma_start3A_37 : memref<64x128xf32, #tpu.memory_space<hbm>>) target(%arg12 : memref<64x128xf32, #tpu.memory_space<vmem>>) target_semaphore(%arg17 : memref<!tpu.dma_semaphore, #tpu.memory_space<semaphore_mem>>)
    %mul3A_38 = arith.constant 160 : i32
    %mul3A_39 = arith.muli %add3A, %mul3A_38 : i32
    %dma_start3A_40 = arith.constant 0 : i32
    %dma_start3A_41 = tpu.memref_slice %arg5[%mul3A_39, %dma_start3A_40] : memref<5120x64xi32, #tpu.memory_space<hbm>> -> memref<1x64xi32, #tpu.memory_space<hbm>>
    %dma_start3A_42 = tpu.memref_squeeze %dma_start3A_41 : memref<1x64xi32, #tpu.memory_space<hbm>> -> memref<64xi32, #tpu.memory_space<hbm>>
    %dma_start3A_43 = arith.constant 0 : i32
    %dma_start3A_44 = tpu.memref_slice %arg5[%mul3A_39, %dma_start3A_43] : memref<5120x64xi32, #tpu.memory_space<hbm>> -> memref<1x64xi32, #tpu.memory_space<hbm>>
    %dma_start3A_45 = tpu.memref_squeeze %dma_start3A_44 : memref<1x64xi32, #tpu.memory_space<hbm>> -> memref<64xi32, #tpu.memory_space<hbm>>
    tpu.enqueue_dma source(%dma_start3A_45 : memref<64xi32, #tpu.memory_space<hbm>>) target(%arg8 : memref<64xi32, #tpu.memory_space<vmem>>) target_semaphore(%arg19 : memref<!tpu.dma_semaphore, #tpu.memory_space<semaphore_mem>>)
    %scan3A_46 = arith.constant 0 : i32
    %scan3A_47 = arith.constant 80 : i32
    %scan3A_48 = arith.addi %scan3A_46, %scan3A_47 : i32
    %scan3A_49 = arith.constant 1 : i32
    scf.for %scan3A_52 = %scan3A_46 to %scan3A_48 step %scan3A_49  : i32 {
      %mul3A_53 = arith.constant 2 : i32
      %mul3A_54 = arith.muli %scan3A_52, %mul3A_53 : i32
      %add3A_55 = arith.constant 0 : i32
      %add3A_56 = arith.addi %add3A_55, %mul3A_54 : i32
      %add3A_57 = arith.constant 0 : i32
      %add3A_58 = arith.addi %add3A_56, %add3A_57 : i32
      %add3A_59 = arith.constant 1 : i32
      %add3A_60 = arith.addi %add3A_58, %add3A_59 : i32
      %lt3A = arith.constant 160 : i32
      %lt3A_61 = arith.cmpi slt, %add3A_60, %lt3A : i32
      %convert_element_type3A = arith.extui %lt3A_61 : i1 to i32
      %cond3A = arith.constant 0 : i32
      %cond3A_62 = arith.cmpi ne, %convert_element_type3A, %cond3A : i32
      scf.if %cond3A_62 {
        %add3A_115 = arith.constant 1 : i32
        %add3A_116 = arith.addi %add3A_58, %add3A_115 : i32
        %mul3A_117 = arith.constant 64 : i32
        %mul3A_118 = arith.muli %add3A_116, %mul3A_117 : i32
        %dma_start3A_119 = tpu.memref_slice %arg7[%mul3A_118] : memref<10240xi32, #tpu.memory_space<vmem>> -> memref<64xi32, #tpu.memory_space<vmem>>
        %dma_start3A_120 = arith.constant 0 : i32
        %dma_start3A_121 = arith.constant 0 : i32
        %dma_start3A_122 = tpu.memref_slice %arg2[%dma_start3A_120, %dma_start3A_121] : memref<10000x128xf32, #tpu.memory_space<hbm>> -> memref<10000x128xf32, #tpu.memory_space<hbm>>
        tpu.enqueue_indirect_dma source(%dma_start3A_122 : memref<10000x128xf32, #tpu.memory_space<hbm>>) target(%arg11 : memref<64x128xf32, #tpu.memory_space<vmem>>) offsets(%dma_start3A_119 : memref<64xi32, #tpu.memory_space<vmem>>) semaphore(%arg16 : memref<!tpu.dma_semaphore, #tpu.memory_space<semaphore_mem>>)
        %mul3A_123 = arith.constant 64 : i32
        %mul3A_124 = arith.muli %add3A_116, %mul3A_123 : i32
        %add3A_125 = arith.addi %mul3A_29, %mul3A_124 : i32
        %dma_start3A_126 = arith.constant 0 : i32
        %dma_start3A_127 = tpu.memref_slice %arg3[%add3A_125, %dma_start3A_126] : memref<327680x128xf32, #tpu.memory_space<hbm>> -> memref<64x128xf32, #tpu.memory_space<hbm>>
        %dma_start3A_128 = arith.constant 0 : i32
        %dma_start3A_129 = tpu.memref_slice %arg3[%add3A_125, %dma_start3A_128] : memref<327680x128xf32, #tpu.memory_space<hbm>> -> memref<64x128xf32, #tpu.memory_space<hbm>>
        tpu.enqueue_dma source(%dma_start3A_129 : memref<64x128xf32, #tpu.memory_space<hbm>>) target(%arg13 : memref<64x128xf32, #tpu.memory_space<vmem>>) target_semaphore(%arg18 : memref<!tpu.dma_semaphore, #tpu.memory_space<semaphore_mem>>)
        %mul3A_130 = arith.constant 160 : i32
        %mul3A_131 = arith.muli %add3A, %mul3A_130 : i32
        %add3A_132 = arith.addi %mul3A_131, %add3A_116 : i32
        %dma_start3A_133 = arith.constant 0 : i32
        %dma_start3A_134 = tpu.memref_slice %arg5[%add3A_132, %dma_start3A_133] : memref<5120x64xi32, #tpu.memory_space<hbm>> -> memref<1x64xi32, #tpu.memory_space<hbm>>
        %dma_start3A_135 = tpu.memref_squeeze %dma_start3A_134 : memref<1x64xi32, #tpu.memory_space<hbm>> -> memref<64xi32, #tpu.memory_space<hbm>>
        %dma_start3A_136 = arith.constant 0 : i32
        %dma_start3A_137 = tpu.memref_slice %arg5[%add3A_132, %dma_start3A_136] : memref<5120x64xi32, #tpu.memory_space<hbm>> -> memref<1x64xi32, #tpu.memory_space<hbm>>
        %dma_start3A_138 = tpu.memref_squeeze %dma_start3A_137 : memref<1x64xi32, #tpu.memory_space<hbm>> -> memref<64xi32, #tpu.memory_space<hbm>>
        tpu.enqueue_dma source(%dma_start3A_138 : memref<64xi32, #tpu.memory_space<hbm>>) target(%arg9 : memref<64xi32, #tpu.memory_space<vmem>>) target_semaphore(%arg20 : memref<!tpu.dma_semaphore, #tpu.memory_space<semaphore_mem>>)
      } else {
      }
      %dma_wait3A = arith.constant 0 : i32
      %dma_wait3A_63 = tpu.memref_slice %arg7[%dma_wait3A] : memref<10240xi32, #tpu.memory_space<vmem>> -> memref<64xi32, #tpu.memory_space<vmem>>
      %dma_wait3A_64 = arith.constant 0 : i32
      %dma_wait3A_65 = arith.constant 0 : i32
      %dma_wait3A_66 = tpu.memref_slice %arg2[%dma_wait3A_64, %dma_wait3A_65] : memref<10000x128xf32, #tpu.memory_space<hbm>> -> memref<10000x128xf32, #tpu.memory_space<hbm>>
      tpu.wait_indirect_dma semaphore(%arg15 : memref<!tpu.dma_semaphore, #tpu.memory_space<semaphore_mem>>) src(%dma_wait3A_66 : memref<10000x128xf32, #tpu.memory_space<hbm>>) dst(%arg10 : memref<64x128xf32, #tpu.memory_space<vmem>>)
      %dma_wait3A_67 = arith.constant 0 : i32
      %dma_wait3A_68 = tpu.memref_slice %arg3[%mul3A_29, %dma_wait3A_67] : memref<327680x128xf32, #tpu.memory_space<hbm>> -> memref<64x128xf32, #tpu.memory_space<hbm>>
      %dma_wait3A_69 = arith.constant 0 : i32
      %dma_wait3A_70 = tpu.memref_slice %arg3[%mul3A_29, %dma_wait3A_69] : memref<327680x128xf32, #tpu.memory_space<hbm>> -> memref<64x128xf32, #tpu.memory_space<hbm>>
      tpu.wait_dma2 semaphore(%arg17 : memref<!tpu.dma_semaphore, #tpu.memory_space<semaphore_mem>>) src(%dma_wait3A_70 : memref<64x128xf32, #tpu.memory_space<hbm>>) dst(%arg12 : memref<64x128xf32, #tpu.memory_space<vmem>>)
      %mul3A_71 = arith.constant 160 : i32
      %mul3A_72 = arith.muli %add3A, %mul3A_71 : i32
      %dma_wait3A_73 = arith.constant 0 : i32
      %dma_wait3A_74 = tpu.memref_slice %arg5[%mul3A_72, %dma_wait3A_73] : memref<5120x64xi32, #tpu.memory_space<hbm>> -> memref<1x64xi32, #tpu.memory_space<hbm>>
      %dma_wait3A_75 = tpu.memref_squeeze %dma_wait3A_74 : memref<1x64xi32, #tpu.memory_space<hbm>> -> memref<64xi32, #tpu.memory_space<hbm>>
      %dma_wait3A_76 = arith.constant 0 : i32
      %dma_wait3A_77 = tpu.memref_slice %arg5[%mul3A_72, %dma_wait3A_76] : memref<5120x64xi32, #tpu.memory_space<hbm>> -> memref<1x64xi32, #tpu.memory_space<hbm>>
      %dma_wait3A_78 = tpu.memref_squeeze %dma_wait3A_77 : memref<1x64xi32, #tpu.memory_space<hbm>> -> memref<64xi32, #tpu.memory_space<hbm>>
      tpu.wait_dma2 semaphore(%arg19 : memref<!tpu.dma_semaphore, #tpu.memory_space<semaphore_mem>>) src(%dma_wait3A_78 : memref<64xi32, #tpu.memory_space<hbm>>) dst(%arg8 : memref<64xi32, #tpu.memory_space<vmem>>)
      %scan3A_79 = arith.constant 0 : i32
      %scan3A_80 = arith.constant 64 : i32
      %scan3A_81 = arith.addi %scan3A_79, %scan3A_80 : i32
      %scan3A_82 = arith.constant 1 : i32
      scf.for %scan3A_115 = %scan3A_79 to %scan3A_81 step %scan3A_82  : i32 {
        %mul3A_116 = arith.constant 1 : i32
        %mul3A_117 = arith.muli %scan3A_115, %mul3A_116 : i32
        %add3A_118 = arith.constant 0 : i32
        %add3A_119 = arith.addi %add3A_118, %mul3A_117 : i32
        %get3A = arith.index_cast %add3A_119 : i32 to index
        %get3A_120 = arith.constant 0 : index
        %get3A_121 = tpu.vector_load %arg10[%get3A, %get3A_120] {strides = array<i32>} : memref<64x128xf32, #tpu.memory_space<vmem>>, vector<1x16xf32>,
        %get3A_122 = vector.shape_cast %get3A_121 : vector<1x16xf32> to vector<16xf32>
        %get3A_123 = arith.index_cast %add3A_119 : i32 to index
        %get3A_124 = arith.constant 0 : index
        %get3A_125 = tpu.vector_load %arg12[%get3A_123, %get3A_124] {strides = array<i32>} : memref<64x128xf32, #tpu.memory_space<vmem>>, vector<1x16xf32>,
        %get3A_126 = vector.shape_cast %get3A_125 : vector<1x16xf32> to vector<16xf32>
        %add3A_127 = arith.addf %get3A_122, %get3A_126 : vector<16xf32>
        %max3A = arith.constant 0.000000e+00 : f32
        %max3A_128 = vector.broadcast %max3A : f32 to vector<16xf32>
        %max3A_129 = arith.maximumf %add3A_127, %max3A_128 : vector<16xf32>
        %swap3A = arith.index_cast %add3A_119 : i32 to index
        %swap3A_130 = arith.constant 0 : index
        %swap3A_131 = tpu.vector_load %arg12[%swap3A, %swap3A_130] {strides = array<i32>} : memref<64x128xf32, #tpu.memory_space<vmem>>, vector<1x16xf32>,
        %swap3A_132 = vector.shape_cast %swap3A_131 : vector<1x16xf32> to vector<16xf32>
        %swap3A_133 = vector.shape_cast %max3A_129 : vector<16xf32> to vector<1x16xf32>
        tpu.vector_store %arg12[%swap3A, %swap3A_130], %swap3A_133 {strides = array<i32>} : memref<64x128xf32, #tpu.memory_space<vmem>>, vector<1x16xf32>,
        %get3A_134 = arith.index_cast %add3A_119 : i32 to index
        %get3A_135 = arith.constant 16 : index
        %get3A_136 = tpu.vector_load %arg10[%get3A_134, %get3A_135] {strides = array<i32>} : memref<64x128xf32, #tpu.memory_space<vmem>>, vector<1x16xf32>,
        %get3A_137 = vector.shape_cast %get3A_136 : vector<1x16xf32> to vector<16xf32>
        %get3A_138 = arith.index_cast %add3A_119 : i32 to index
        %get3A_139 = arith.constant 16 : index
        %get3A_140 = tpu.vector_load %arg12[%get3A_138, %get3A_139] {strides = array<i32>} : memref<64x128xf32, #tpu.memory_space<vmem>>, vector<1x16xf32>,
        %get3A_141 = vector.shape_cast %get3A_140 : vector<1x16xf32> to vector<16xf32>
        %add3A_142 = arith.addf %get3A_137, %get3A_141 : vector<16xf32>
        %max3A_143 = arith.constant 0.000000e+00 : f32
        %max3A_144 = vector.broadcast %max3A_143 : f32 to vector<16xf32>
        %max3A_145 = arith.maximumf %add3A_142, %max3A_144 : vector<16xf32>
        %swap3A_146 = arith.index_cast %add3A_119 : i32 to index
        %swap3A_147 = arith.constant 16 : index
        %swap3A_148 = tpu.vector_load %arg12[%swap3A_146, %swap3A_147] {strides = array<i32>} : memref<64x128xf32, #tpu.memory_space<vmem>>, vector<1x16xf32>,
        %swap3A_149 = vector.shape_cast %swap3A_148 : vector<1x16xf32> to vector<16xf32>
        %swap3A_150 = vector.shape_cast %max3A_145 : vector<16xf32> to vector<1x16xf32>
        tpu.vector_store %arg12[%swap3A_146, %swap3A_147], %swap3A_150 {strides = array<i32>} : memref<64x128xf32, #tpu.memory_space<vmem>>, vector<1x16xf32>,
        %get3A_151 = arith.index_cast %add3A_119 : i32 to index
        %get3A_152 = arith.constant 32 : index
        %get3A_153 = tpu.vector_load %arg10[%get3A_151, %get3A_152] {strides = array<i32>} : memref<64x128xf32, #tpu.memory_space<vmem>>, vector<1x16xf32>,
        %get3A_154 = vector.shape_cast %get3A_153 : vector<1x16xf32> to vector<16xf32>
        %get3A_155 = arith.index_cast %add3A_119 : i32 to index
        %get3A_156 = arith.constant 32 : index
        %get3A_157 = tpu.vector_load %arg12[%get3A_155, %get3A_156] {strides = array<i32>} : memref<64x128xf32, #tpu.memory_space<vmem>>, vector<1x16xf32>,
        %get3A_158 = vector.shape_cast %get3A_157 : vector<1x16xf32> to vector<16xf32>
        %add3A_159 = arith.addf %get3A_154, %get3A_158 : vector<16xf32>
        %max3A_160 = arith.constant 0.000000e+00 : f32
        %max3A_161 = vector.broadcast %max3A_160 : f32 to vector<16xf32>
        %max3A_162 = arith.maximumf %add3A_159, %max3A_161 : vector<16xf32>
        %swap3A_163 = arith.index_cast %add3A_119 : i32 to index
        %swap3A_164 = arith.constant 32 : index
        %swap3A_165 = tpu.vector_load %arg12[%swap3A_163, %swap3A_164] {strides = array<i32>} : memref<64x128xf32, #tpu.memory_space<vmem>>, vector<1x16xf32>,
        %swap3A_166 = vector.shape_cast %swap3A_165 : vector<1x16xf32> to vector<16xf32>
        %swap3A_167 = vector.shape_cast %max3A_162 : vector<16xf32> to vector<1x16xf32>
        tpu.vector_store %arg12[%swap3A_163, %swap3A_164], %swap3A_167 {strides = array<i32>} : memref<64x128xf32, #tpu.memory_space<vmem>>, vector<1x16xf32>,
        %get3A_168 = arith.index_cast %add3A_119 : i32 to index
        %get3A_169 = arith.constant 48 : index
        %get3A_170 = tpu.vector_load %arg10[%get3A_168, %get3A_169] {strides = array<i32>} : memref<64x128xf32, #tpu.memory_space<vmem>>, vector<1x16xf32>,
        %get3A_171 = vector.shape_cast %get3A_170 : vector<1x16xf32> to vector<16xf32>
        %get3A_172 = arith.index_cast %add3A_119 : i32 to index
        %get3A_173 = arith.constant 48 : index
        %get3A_174 = tpu.vector_load %arg12[%get3A_172, %get3A_173] {strides = array<i32>} : memref<64x128xf32, #tpu.memory_space<vmem>>, vector<1x16xf32>,
        %get3A_175 = vector.shape_cast %get3A_174 : vector<1x16xf32> to vector<16xf32>
        %add3A_176 = arith.addf %get3A_171, %get3A_175 : vector<16xf32>
        %max3A_177 = arith.constant 0.000000e+00 : f32
        %max3A_178 = vector.broadcast %max3A_177 : f32 to vector<16xf32>
        %max3A_179 = arith.maximumf %add3A_176, %max3A_178 : vector<16xf32>
        %swap3A_180 = arith.index_cast %add3A_119 : i32 to index
        %swap3A_181 = arith.constant 48 : index
        %swap3A_182 = tpu.vector_load %arg12[%swap3A_180, %swap3A_181] {strides = array<i32>} : memref<64x128xf32, #tpu.memory_space<vmem>>, vector<1x16xf32>,
        %swap3A_183 = vector.shape_cast %swap3A_182 : vector<1x16xf32> to vector<16xf32>
        %swap3A_184 = vector.shape_cast %max3A_179 : vector<16xf32> to vector<1x16xf32>
        tpu.vector_store %arg12[%swap3A_180, %swap3A_181], %swap3A_184 {strides = array<i32>} : memref<64x128xf32, #tpu.memory_space<vmem>>, vector<1x16xf32>,
        %get3A_185 = arith.index_cast %add3A_119 : i32 to index
        %get3A_186 = arith.constant 64 : index
        %get3A_187 = tpu.vector_load %arg10[%get3A_185, %get3A_186] {strides = array<i32>} : memref<64x128xf32, #tpu.memory_space<vmem>>, vector<1x16xf32>,
        %get3A_188 = vector.shape_cast %get3A_187 : vector<1x16xf32> to vector<16xf32>
        %get3A_189 = arith.index_cast %add3A_119 : i32 to index
        %get3A_190 = arith.constant 64 : index
        %get3A_191 = tpu.vector_load %arg12[%get3A_189, %get3A_190] {strides = array<i32>} : memref<64x128xf32, #tpu.memory_space<vmem>>, vector<1x16xf32>,
        %get3A_192 = vector.shape_cast %get3A_191 : vector<1x16xf32> to vector<16xf32>
        %add3A_193 = arith.addf %get3A_188, %get3A_192 : vector<16xf32>
        %max3A_194 = arith.constant 0.000000e+00 : f32
        %max3A_195 = vector.broadcast %max3A_194 : f32 to vector<16xf32>
        %max3A_196 = arith.maximumf %add3A_193, %max3A_195 : vector<16xf32>
        %swap3A_197 = arith.index_cast %add3A_119 : i32 to index
        %swap3A_198 = arith.constant 64 : index
        %swap3A_199 = tpu.vector_load %arg12[%swap3A_197, %swap3A_198] {strides = array<i32>} : memref<64x128xf32, #tpu.memory_space<vmem>>, vector<1x16xf32>,
        %swap3A_200 = vector.shape_cast %swap3A_199 : vector<1x16xf32> to vector<16xf32>
        %swap3A_201 = vector.shape_cast %max3A_196 : vector<16xf32> to vector<1x16xf32>
        tpu.vector_store %arg12[%swap3A_197, %swap3A_198], %swap3A_201 {strides = array<i32>} : memref<64x128xf32, #tpu.memory_space<vmem>>, vector<1x16xf32>,
        %get3A_202 = arith.index_cast %add3A_119 : i32 to index
        %get3A_203 = arith.constant 80 : index
        %get3A_204 = tpu.vector_load %arg10[%get3A_202, %get3A_203] {strides = array<i32>} : memref<64x128xf32, #tpu.memory_space<vmem>>, vector<1x16xf32>,
        %get3A_205 = vector.shape_cast %get3A_204 : vector<1x16xf32> to vector<16xf32>
        %get3A_206 = arith.index_cast %add3A_119 : i32 to index
        %get3A_207 = arith.constant 80 : index
        %get3A_208 = tpu.vector_load %arg12[%get3A_206, %get3A_207] {strides = array<i32>} : memref<64x128xf32, #tpu.memory_space<vmem>>, vector<1x16xf32>,
        %get3A_209 = vector.shape_cast %get3A_208 : vector<1x16xf32> to vector<16xf32>
        %add3A_210 = arith.addf %get3A_205, %get3A_209 : vector<16xf32>
        %max3A_211 = arith.constant 0.000000e+00 : f32
        %max3A_212 = vector.broadcast %max3A_211 : f32 to vector<16xf32>
        %max3A_213 = arith.maximumf %add3A_210, %max3A_212 : vector<16xf32>
        %swap3A_214 = arith.index_cast %add3A_119 : i32 to index
        %swap3A_215 = arith.constant 80 : index
        %swap3A_216 = tpu.vector_load %arg12[%swap3A_214, %swap3A_215] {strides = array<i32>} : memref<64x128xf32, #tpu.memory_space<vmem>>, vector<1x16xf32>,
        %swap3A_217 = vector.shape_cast %swap3A_216 : vector<1x16xf32> to vector<16xf32>
        %swap3A_218 = vector.shape_cast %max3A_213 : vector<16xf32> to vector<1x16xf32>
        tpu.vector_store %arg12[%swap3A_214, %swap3A_215], %swap3A_218 {strides = array<i32>} : memref<64x128xf32, #tpu.memory_space<vmem>>, vector<1x16xf32>,
        %get3A_219 = arith.index_cast %add3A_119 : i32 to index
        %get3A_220 = arith.constant 96 : index
        %get3A_221 = tpu.vector_load %arg10[%get3A_219, %get3A_220] {strides = array<i32>} : memref<64x128xf32, #tpu.memory_space<vmem>>, vector<1x16xf32>,
        %get3A_222 = vector.shape_cast %get3A_221 : vector<1x16xf32> to vector<16xf32>
        %get3A_223 = arith.index_cast %add3A_119 : i32 to index
        %get3A_224 = arith.constant 96 : index
        %get3A_225 = tpu.vector_load %arg12[%get3A_223, %get3A_224] {strides = array<i32>} : memref<64x128xf32, #tpu.memory_space<vmem>>, vector<1x16xf32>,
        %get3A_226 = vector.shape_cast %get3A_225 : vector<1x16xf32> to vector<16xf32>
        %add3A_227 = arith.addf %get3A_222, %get3A_226 : vector<16xf32>
        %max3A_228 = arith.constant 0.000000e+00 : f32
        %max3A_229 = vector.broadcast %max3A_228 : f32 to vector<16xf32>
        %max3A_230 = arith.maximumf %add3A_227, %max3A_229 : vector<16xf32>
        %swap3A_231 = arith.index_cast %add3A_119 : i32 to index
        %swap3A_232 = arith.constant 96 : index
        %swap3A_233 = tpu.vector_load %arg12[%swap3A_231, %swap3A_232] {strides = array<i32>} : memref<64x128xf32, #tpu.memory_space<vmem>>, vector<1x16xf32>,
        %swap3A_234 = vector.shape_cast %swap3A_233 : vector<1x16xf32> to vector<16xf32>
        %swap3A_235 = vector.shape_cast %max3A_230 : vector<16xf32> to vector<1x16xf32>
        tpu.vector_store %arg12[%swap3A_231, %swap3A_232], %swap3A_235 {strides = array<i32>} : memref<64x128xf32, #tpu.memory_space<vmem>>, vector<1x16xf32>,
        %get3A_236 = arith.index_cast %add3A_119 : i32 to index
        %get3A_237 = arith.constant 112 : index
        %get3A_238 = tpu.vector_load %arg10[%get3A_236, %get3A_237] {strides = array<i32>} : memref<64x128xf32, #tpu.memory_space<vmem>>, vector<1x16xf32>,
        %get3A_239 = vector.shape_cast %get3A_238 : vector<1x16xf32> to vector<16xf32>
        %get3A_240 = arith.index_cast %add3A_119 : i32 to index
        %get3A_241 = arith.constant 112 : index
        %get3A_242 = tpu.vector_load %arg12[%get3A_240, %get3A_241] {strides = array<i32>} : memref<64x128xf32, #tpu.memory_space<vmem>>, vector<1x16xf32>,
        %get3A_243 = vector.shape_cast %get3A_242 : vector<1x16xf32> to vector<16xf32>
        %add3A_244 = arith.addf %get3A_239, %get3A_243 : vector<16xf32>
        %max3A_245 = arith.constant 0.000000e+00 : f32
        %max3A_246 = vector.broadcast %max3A_245 : f32 to vector<16xf32>
        %max3A_247 = arith.maximumf %add3A_244, %max3A_246 : vector<16xf32>
        %swap3A_248 = arith.index_cast %add3A_119 : i32 to index
        %swap3A_249 = arith.constant 112 : index
        %swap3A_250 = tpu.vector_load %arg12[%swap3A_248, %swap3A_249] {strides = array<i32>} : memref<64x128xf32, #tpu.memory_space<vmem>>, vector<1x16xf32>,
        %swap3A_251 = vector.shape_cast %swap3A_250 : vector<1x16xf32> to vector<16xf32>
        %swap3A_252 = vector.shape_cast %max3A_247 : vector<16xf32> to vector<1x16xf32>
        tpu.vector_store %arg12[%swap3A_248, %swap3A_249], %swap3A_252 {strides = array<i32>} : memref<64x128xf32, #tpu.memory_space<vmem>>, vector<1x16xf32>,
      }
      %scan3A_83 = arith.constant 64 : i32
      "tpu.region"() ({
        %run_scoped3A = tpu.sem_alloc : memref<!tpu.dma_semaphore, #tpu.memory_space<semaphore_mem>>
        %dma_start3A_115 = arith.constant 0 : i32
        %dma_start3A_116 = arith.constant 0 : i32
        %dma_start3A_117 = tpu.memref_slice %arg14[%dma_start3A_115, %dma_start3A_116] : memref<10240x128xf32, #tpu.memory_space<vmem_shared>> -> memref<10240x128xf32, #tpu.memory_space<vmem_shared>>
        tpu.enqueue_indirect_dma source(%arg12 : memref<64x128xf32, #tpu.memory_space<vmem>>) target(%dma_start3A_117 : memref<10240x128xf32, #tpu.memory_space<vmem_shared>>) offsets(%arg8 : memref<64xi32, #tpu.memory_space<vmem>>) semaphore(%run_scoped3A : memref<!tpu.dma_semaphore, #tpu.memory_space<semaphore_mem>>) {add = true}
        %dma_wait3A_118 = arith.constant 0 : i32
        %dma_wait3A_119 = arith.constant 0 : i32
        %dma_wait3A_120 = tpu.memref_slice %arg14[%dma_wait3A_118, %dma_wait3A_119] : memref<10240x128xf32, #tpu.memory_space<vmem_shared>> -> memref<10240x128xf32, #tpu.memory_space<vmem_shared>>
        tpu.wait_indirect_dma semaphore(%run_scoped3A : memref<!tpu.dma_semaphore, #tpu.memory_space<semaphore_mem>>) src(%arg12 : memref<64x128xf32, #tpu.memory_space<vmem>>) dst(%dma_wait3A_120 : memref<10240x128xf32, #tpu.memory_space<vmem_shared>>)
        tpu.yield
      }) : () -> ()
      %add3A_84 = arith.constant 1 : i32
      %add3A_85 = arith.addi %add3A_56, %add3A_84 : i32
      %add3A_86 = arith.constant 1 : i32
      %add3A_87 = arith.addi %add3A_85, %add3A_86 : i32
      %lt3A_88 = arith.constant 160 : i32
      %lt3A_89 = arith.cmpi slt, %add3A_87, %lt3A_88 : i32
      %convert_element_type3A_90 = arith.extui %lt3A_89 : i1 to i32
      %cond3A_91 = arith.constant 0 : i32
      %cond3A_92 = arith.cmpi ne, %convert_element_type3A_90, %cond3A_91 : i32
      scf.if %cond3A_92 {
        %add3A_115 = arith.constant 1 : i32
        %add3A_116 = arith.addi %add3A_85, %add3A_115 : i32
        %mul3A_117 = arith.constant 64 : i32
        %mul3A_118 = arith.muli %add3A_116, %mul3A_117 : i32
        %dma_start3A_119 = tpu.memref_slice %arg7[%mul3A_118] : memref<10240xi32, #tpu.memory_space<vmem>> -> memref<64xi32, #tpu.memory_space<vmem>>
        %dma_start3A_120 = arith.constant 0 : i32
        %dma_start3A_121 = arith.constant 0 : i32
        %dma_start3A_122 = tpu.memref_slice %arg2[%dma_start3A_120, %dma_start3A_121] : memref<10000x128xf32, #tpu.memory_space<hbm>> -> memref<10000x128xf32, #tpu.memory_space<hbm>>
        tpu.enqueue_indirect_dma source(%dma_start3A_122 : memref<10000x128xf32, #tpu.memory_space<hbm>>) target(%arg10 : memref<64x128xf32, #tpu.memory_space<vmem>>) offsets(%dma_start3A_119 : memref<64xi32, #tpu.memory_space<vmem>>) semaphore(%arg15 : memref<!tpu.dma_semaphore, #tpu.memory_space<semaphore_mem>>)
        %mul3A_123 = arith.constant 64 : i32
        %mul3A_124 = arith.muli %add3A_116, %mul3A_123 : i32
        %add3A_125 = arith.addi %mul3A_29, %mul3A_124 : i32
        %dma_start3A_126 = arith.constant 0 : i32
        %dma_start3A_127 = tpu.memref_slice %arg3[%add3A_125, %dma_start3A_126] : memref<327680x128xf32, #tpu.memory_space<hbm>> -> memref<64x128xf32, #tpu.memory_space<hbm>>
        %dma_start3A_128 = arith.constant 0 : i32
        %dma_start3A_129 = tpu.memref_slice %arg3[%add3A_125, %dma_start3A_128] : memref<327680x128xf32, #tpu.memory_space<hbm>> -> memref<64x128xf32, #tpu.memory_space<hbm>>
        tpu.enqueue_dma source(%dma_start3A_129 : memref<64x128xf32, #tpu.memory_space<hbm>>) target(%arg12 : memref<64x128xf32, #tpu.memory_space<vmem>>) target_semaphore(%arg17 : memref<!tpu.dma_semaphore, #tpu.memory_space<semaphore_mem>>)
        %mul3A_130 = arith.constant 160 : i32
        %mul3A_131 = arith.muli %add3A, %mul3A_130 : i32
        %add3A_132 = arith.addi %mul3A_131, %add3A_116 : i32
        %dma_start3A_133 = arith.constant 0 : i32
        %dma_start3A_134 = tpu.memref_slice %arg5[%add3A_132, %dma_start3A_133] : memref<5120x64xi32, #tpu.memory_space<hbm>> -> memref<1x64xi32, #tpu.memory_space<hbm>>
        %dma_start3A_135 = tpu.memref_squeeze %dma_start3A_134 : memref<1x64xi32, #tpu.memory_space<hbm>> -> memref<64xi32, #tpu.memory_space<hbm>>
        %dma_start3A_136 = arith.constant 0 : i32
        %dma_start3A_137 = tpu.memref_slice %arg5[%add3A_132, %dma_start3A_136] : memref<5120x64xi32, #tpu.memory_space<hbm>> -> memref<1x64xi32, #tpu.memory_space<hbm>>
        %dma_start3A_138 = tpu.memref_squeeze %dma_start3A_137 : memref<1x64xi32, #tpu.memory_space<hbm>> -> memref<64xi32, #tpu.memory_space<hbm>>
        tpu.enqueue_dma source(%dma_start3A_138 : memref<64xi32, #tpu.memory_space<hbm>>) target(%arg8 : memref<64xi32, #tpu.memory_space<vmem>>) target_semaphore(%arg19 : memref<!tpu.dma_semaphore, #tpu.memory_space<semaphore_mem>>)
      } else {
      }
      %dma_wait3A_93 = arith.constant 0 : i32
      %dma_wait3A_94 = tpu.memref_slice %arg7[%dma_wait3A_93] : memref<10240xi32, #tpu.memory_space<vmem>> -> memref<64xi32, #tpu.memory_space<vmem>>
      %dma_wait3A_95 = arith.constant 0 : i32
      %dma_wait3A_96 = arith.constant 0 : i32
      %dma_wait3A_97 = tpu.memref_slice %arg2[%dma_wait3A_95, %dma_wait3A_96] : memref<10000x128xf32, #tpu.memory_space<hbm>> -> memref<10000x128xf32, #tpu.memory_space<hbm>>
      tpu.wait_indirect_dma semaphore(%arg16 : memref<!tpu.dma_semaphore, #tpu.memory_space<semaphore_mem>>) src(%dma_wait3A_97 : memref<10000x128xf32, #tpu.memory_space<hbm>>) dst(%arg11 : memref<64x128xf32, #tpu.memory_space<vmem>>)
      %dma_wait3A_98 = arith.constant 0 : i32
      %dma_wait3A_99 = tpu.memref_slice %arg3[%mul3A_29, %dma_wait3A_98] : memref<327680x128xf32, #tpu.memory_space<hbm>> -> memref<64x128xf32, #tpu.memory_space<hbm>>
      %dma_wait3A_100 = arith.constant 0 : i32
      %dma_wait3A_101 = tpu.memref_slice %arg3[%mul3A_29, %dma_wait3A_100] : memref<327680x128xf32, #tpu.memory_space<hbm>> -> memref<64x128xf32, #tpu.memory_space<hbm>>
      tpu.wait_dma2 semaphore(%arg18 : memref<!tpu.dma_semaphore, #tpu.memory_space<semaphore_mem>>) src(%dma_wait3A_101 : memref<64x128xf32, #tpu.memory_space<hbm>>) dst(%arg13 : memref<64x128xf32, #tpu.memory_space<vmem>>)
      %mul3A_102 = arith.constant 160 : i32
      %mul3A_103 = arith.muli %add3A, %mul3A_102 : i32
      %dma_wait3A_104 = arith.constant 0 : i32
      %dma_wait3A_105 = tpu.memref_slice %arg5[%mul3A_103, %dma_wait3A_104] : memref<5120x64xi32, #tpu.memory_space<hbm>> -> memref<1x64xi32, #tpu.memory_space<hbm>>
      %dma_wait3A_106 = tpu.memref_squeeze %dma_wait3A_105 : memref<1x64xi32, #tpu.memory_space<hbm>> -> memref<64xi32, #tpu.memory_space<hbm>>
      %dma_wait3A_107 = arith.constant 0 : i32
      %dma_wait3A_108 = tpu.memref_slice %arg5[%mul3A_103, %dma_wait3A_107] : memref<5120x64xi32, #tpu.memory_space<hbm>> -> memref<1x64xi32, #tpu.memory_space<hbm>>
      %dma_wait3A_109 = tpu.memref_squeeze %dma_wait3A_108 : memref<1x64xi32, #tpu.memory_space<hbm>> -> memref<64xi32, #tpu.memory_space<hbm>>
      tpu.wait_dma2 semaphore(%arg20 : memref<!tpu.dma_semaphore, #tpu.memory_space<semaphore_mem>>) src(%dma_wait3A_109 : memref<64xi32, #tpu.memory_space<hbm>>) dst(%arg9 : memref<64xi32, #tpu.memory_space<vmem>>)
      %scan3A_110 = arith.constant 0 : i32
      %scan3A_111 = arith.constant 64 : i32
      %scan3A_112 = arith.addi %scan3A_110, %scan3A_111 : i32
      %scan3A_113 = arith.constant 1 : i32
      scf.for %scan3A_115 = %scan3A_110 to %scan3A_112 step %scan3A_113  : i32 {
        %mul3A_116 = arith.constant 1 : i32
        %mul3A_117 = arith.muli %scan3A_115, %mul3A_116 : i32
        %add3A_118 = arith.constant 0 : i32
        %add3A_119 = arith.addi %add3A_118, %mul3A_117 : i32
        %get3A = arith.index_cast %add3A_119 : i32 to index
        %get3A_120 = arith.constant 0 : index
        %get3A_121 = tpu.vector_load %arg11[%get3A, %get3A_120] {strides = array<i32>} : memref<64x128xf32, #tpu.memory_space<vmem>>, vector<1x16xf32>,
        %get3A_122 = vector.shape_cast %get3A_121 : vector<1x16xf32> to vector<16xf32>
        %get3A_123 = arith.index_cast %add3A_119 : i32 to index
        %get3A_124 = arith.constant 0 : index
        %get3A_125 = tpu.vector_load %arg13[%get3A_123, %get3A_124] {strides = array<i32>} : memref<64x128xf32, #tpu.memory_space<vmem>>, vector<1x16xf32>,
        %get3A_126 = vector.shape_cast %get3A_125 : vector<1x16xf32> to vector<16xf32>
        %add3A_127 = arith.addf %get3A_122, %get3A_126 : vector<16xf32>
        %max3A = arith.constant 0.000000e+00 : f32
        %max3A_128 = vector.broadcast %max3A : f32 to vector<16xf32>
        %max3A_129 = arith.maximumf %add3A_127, %max3A_128 : vector<16xf32>
        %swap3A = arith.index_cast %add3A_119 : i32 to index
        %swap3A_130 = arith.constant 0 : index
        %swap3A_131 = tpu.vector_load %arg13[%swap3A, %swap3A_130] {strides = array<i32>} : memref<64x128xf32, #tpu.memory_space<vmem>>, vector<1x16xf32>,
        %swap3A_132 = vector.shape_cast %swap3A_131 : vector<1x16xf32> to vector<16xf32>
        %swap3A_133 = vector.shape_cast %max3A_129 : vector<16xf32> to vector<1x16xf32>
        tpu.vector_store %arg13[%swap3A, %swap3A_130], %swap3A_133 {strides = array<i32>} : memref<64x128xf32, #tpu.memory_space<vmem>>, vector<1x16xf32>,
        %get3A_134 = arith.index_cast %add3A_119 : i32 to index
        %get3A_135 = arith.constant 16 : index
        %get3A_136 = tpu.vector_load %arg11[%get3A_134, %get3A_135] {strides = array<i32>} : memref<64x128xf32, #tpu.memory_space<vmem>>, vector<1x16xf32>,
        %get3A_137 = vector.shape_cast %get3A_136 : vector<1x16xf32> to vector<16xf32>
        %get3A_138 = arith.index_cast %add3A_119 : i32 to index
        %get3A_139 = arith.constant 16 : index
        %get3A_140 = tpu.vector_load %arg13[%get3A_138, %get3A_139] {strides = array<i32>} : memref<64x128xf32, #tpu.memory_space<vmem>>, vector<1x16xf32>,
        %get3A_141 = vector.shape_cast %get3A_140 : vector<1x16xf32> to vector<16xf32>
        %add3A_142 = arith.addf %get3A_137, %get3A_141 : vector<16xf32>
        %max3A_143 = arith.constant 0.000000e+00 : f32
        %max3A_144 = vector.broadcast %max3A_143 : f32 to vector<16xf32>
        %max3A_145 = arith.maximumf %add3A_142, %max3A_144 : vector<16xf32>
        %swap3A_146 = arith.index_cast %add3A_119 : i32 to index
        %swap3A_147 = arith.constant 16 : index
        %swap3A_148 = tpu.vector_load %arg13[%swap3A_146, %swap3A_147] {strides = array<i32>} : memref<64x128xf32, #tpu.memory_space<vmem>>, vector<1x16xf32>,
        %swap3A_149 = vector.shape_cast %swap3A_148 : vector<1x16xf32> to vector<16xf32>
        %swap3A_150 = vector.shape_cast %max3A_145 : vector<16xf32> to vector<1x16xf32>
        tpu.vector_store %arg13[%swap3A_146, %swap3A_147], %swap3A_150 {strides = array<i32>} : memref<64x128xf32, #tpu.memory_space<vmem>>, vector<1x16xf32>,
        %get3A_151 = arith.index_cast %add3A_119 : i32 to index
        %get3A_152 = arith.constant 32 : index
        %get3A_153 = tpu.vector_load %arg11[%get3A_151, %get3A_152] {strides = array<i32>} : memref<64x128xf32, #tpu.memory_space<vmem>>, vector<1x16xf32>,
        %get3A_154 = vector.shape_cast %get3A_153 : vector<1x16xf32> to vector<16xf32>
        %get3A_155 = arith.index_cast %add3A_119 : i32 to index
        %get3A_156 = arith.constant 32 : index
        %get3A_157 = tpu.vector_load %arg13[%get3A_155, %get3A_156] {strides = array<i32>} : memref<64x128xf32, #tpu.memory_space<vmem>>, vector<1x16xf32>,
        %get3A_158 = vector.shape_cast %get3A_157 : vector<1x16xf32> to vector<16xf32>
        %add3A_159 = arith.addf %get3A_154, %get3A_158 : vector<16xf32>
        %max3A_160 = arith.constant 0.000000e+00 : f32
        %max3A_161 = vector.broadcast %max3A_160 : f32 to vector<16xf32>
        %max3A_162 = arith.maximumf %add3A_159, %max3A_161 : vector<16xf32>
        %swap3A_163 = arith.index_cast %add3A_119 : i32 to index
        %swap3A_164 = arith.constant 32 : index
        %swap3A_165 = tpu.vector_load %arg13[%swap3A_163, %swap3A_164] {strides = array<i32>} : memref<64x128xf32, #tpu.memory_space<vmem>>, vector<1x16xf32>,
        %swap3A_166 = vector.shape_cast %swap3A_165 : vector<1x16xf32> to vector<16xf32>
        %swap3A_167 = vector.shape_cast %max3A_162 : vector<16xf32> to vector<1x16xf32>
        tpu.vector_store %arg13[%swap3A_163, %swap3A_164], %swap3A_167 {strides = array<i32>} : memref<64x128xf32, #tpu.memory_space<vmem>>, vector<1x16xf32>,
        %get3A_168 = arith.index_cast %add3A_119 : i32 to index
        %get3A_169 = arith.constant 48 : index
        %get3A_170 = tpu.vector_load %arg11[%get3A_168, %get3A_169] {strides = array<i32>} : memref<64x128xf32, #tpu.memory_space<vmem>>, vector<1x16xf32>,
        %get3A_171 = vector.shape_cast %get3A_170 : vector<1x16xf32> to vector<16xf32>
        %get3A_172 = arith.index_cast %add3A_119 : i32 to index
        %get3A_173 = arith.constant 48 : index
        %get3A_174 = tpu.vector_load %arg13[%get3A_172, %get3A_173] {strides = array<i32>} : memref<64x128xf32, #tpu.memory_space<vmem>>, vector<1x16xf32>,
        %get3A_175 = vector.shape_cast %get3A_174 : vector<1x16xf32> to vector<16xf32>
        %add3A_176 = arith.addf %get3A_171, %get3A_175 : vector<16xf32>
        %max3A_177 = arith.constant 0.000000e+00 : f32
        %max3A_178 = vector.broadcast %max3A_177 : f32 to vector<16xf32>
        %max3A_179 = arith.maximumf %add3A_176, %max3A_178 : vector<16xf32>
        %swap3A_180 = arith.index_cast %add3A_119 : i32 to index
        %swap3A_181 = arith.constant 48 : index
        %swap3A_182 = tpu.vector_load %arg13[%swap3A_180, %swap3A_181] {strides = array<i32>} : memref<64x128xf32, #tpu.memory_space<vmem>>, vector<1x16xf32>,
        %swap3A_183 = vector.shape_cast %swap3A_182 : vector<1x16xf32> to vector<16xf32>
        %swap3A_184 = vector.shape_cast %max3A_179 : vector<16xf32> to vector<1x16xf32>
        tpu.vector_store %arg13[%swap3A_180, %swap3A_181], %swap3A_184 {strides = array<i32>} : memref<64x128xf32, #tpu.memory_space<vmem>>, vector<1x16xf32>,
        %get3A_185 = arith.index_cast %add3A_119 : i32 to index
        %get3A_186 = arith.constant 64 : index
        %get3A_187 = tpu.vector_load %arg11[%get3A_185, %get3A_186] {strides = array<i32>} : memref<64x128xf32, #tpu.memory_space<vmem>>, vector<1x16xf32>,
        %get3A_188 = vector.shape_cast %get3A_187 : vector<1x16xf32> to vector<16xf32>
        %get3A_189 = arith.index_cast %add3A_119 : i32 to index
        %get3A_190 = arith.constant 64 : index
        %get3A_191 = tpu.vector_load %arg13[%get3A_189, %get3A_190] {strides = array<i32>} : memref<64x128xf32, #tpu.memory_space<vmem>>, vector<1x16xf32>,
        %get3A_192 = vector.shape_cast %get3A_191 : vector<1x16xf32> to vector<16xf32>
        %add3A_193 = arith.addf %get3A_188, %get3A_192 : vector<16xf32>
        %max3A_194 = arith.constant 0.000000e+00 : f32
        %max3A_195 = vector.broadcast %max3A_194 : f32 to vector<16xf32>
        %max3A_196 = arith.maximumf %add3A_193, %max3A_195 : vector<16xf32>
        %swap3A_197 = arith.index_cast %add3A_119 : i32 to index
        %swap3A_198 = arith.constant 64 : index
        %swap3A_199 = tpu.vector_load %arg13[%swap3A_197, %swap3A_198] {strides = array<i32>} : memref<64x128xf32, #tpu.memory_space<vmem>>, vector<1x16xf32>,
        %swap3A_200 = vector.shape_cast %swap3A_199 : vector<1x16xf32> to vector<16xf32>
        %swap3A_201 = vector.shape_cast %max3A_196 : vector<16xf32> to vector<1x16xf32>
        tpu.vector_store %arg13[%swap3A_197, %swap3A_198], %swap3A_201 {strides = array<i32>} : memref<64x128xf32, #tpu.memory_space<vmem>>, vector<1x16xf32>,
        %get3A_202 = arith.index_cast %add3A_119 : i32 to index
        %get3A_203 = arith.constant 80 : index
        %get3A_204 = tpu.vector_load %arg11[%get3A_202, %get3A_203] {strides = array<i32>} : memref<64x128xf32, #tpu.memory_space<vmem>>, vector<1x16xf32>,
        %get3A_205 = vector.shape_cast %get3A_204 : vector<1x16xf32> to vector<16xf32>
        %get3A_206 = arith.index_cast %add3A_119 : i32 to index
        %get3A_207 = arith.constant 80 : index
        %get3A_208 = tpu.vector_load %arg13[%get3A_206, %get3A_207] {strides = array<i32>} : memref<64x128xf32, #tpu.memory_space<vmem>>, vector<1x16xf32>,
        %get3A_209 = vector.shape_cast %get3A_208 : vector<1x16xf32> to vector<16xf32>
        %add3A_210 = arith.addf %get3A_205, %get3A_209 : vector<16xf32>
        %max3A_211 = arith.constant 0.000000e+00 : f32
        %max3A_212 = vector.broadcast %max3A_211 : f32 to vector<16xf32>
        %max3A_213 = arith.maximumf %add3A_210, %max3A_212 : vector<16xf32>
        %swap3A_214 = arith.index_cast %add3A_119 : i32 to index
        %swap3A_215 = arith.constant 80 : index
        %swap3A_216 = tpu.vector_load %arg13[%swap3A_214, %swap3A_215] {strides = array<i32>} : memref<64x128xf32, #tpu.memory_space<vmem>>, vector<1x16xf32>,
        %swap3A_217 = vector.shape_cast %swap3A_216 : vector<1x16xf32> to vector<16xf32>
        %swap3A_218 = vector.shape_cast %max3A_213 : vector<16xf32> to vector<1x16xf32>
        tpu.vector_store %arg13[%swap3A_214, %swap3A_215], %swap3A_218 {strides = array<i32>} : memref<64x128xf32, #tpu.memory_space<vmem>>, vector<1x16xf32>,
        %get3A_219 = arith.index_cast %add3A_119 : i32 to index
        %get3A_220 = arith.constant 96 : index
        %get3A_221 = tpu.vector_load %arg11[%get3A_219, %get3A_220] {strides = array<i32>} : memref<64x128xf32, #tpu.memory_space<vmem>>, vector<1x16xf32>,
        %get3A_222 = vector.shape_cast %get3A_221 : vector<1x16xf32> to vector<16xf32>
        %get3A_223 = arith.index_cast %add3A_119 : i32 to index
        %get3A_224 = arith.constant 96 : index
        %get3A_225 = tpu.vector_load %arg13[%get3A_223, %get3A_224] {strides = array<i32>} : memref<64x128xf32, #tpu.memory_space<vmem>>, vector<1x16xf32>,
        %get3A_226 = vector.shape_cast %get3A_225 : vector<1x16xf32> to vector<16xf32>
        %add3A_227 = arith.addf %get3A_222, %get3A_226 : vector<16xf32>
        %max3A_228 = arith.constant 0.000000e+00 : f32
        %max3A_229 = vector.broadcast %max3A_228 : f32 to vector<16xf32>
        %max3A_230 = arith.maximumf %add3A_227, %max3A_229 : vector<16xf32>
        %swap3A_231 = arith.index_cast %add3A_119 : i32 to index
        %swap3A_232 = arith.constant 96 : index
        %swap3A_233 = tpu.vector_load %arg13[%swap3A_231, %swap3A_232] {strides = array<i32>} : memref<64x128xf32, #tpu.memory_space<vmem>>, vector<1x16xf32>,
        %swap3A_234 = vector.shape_cast %swap3A_233 : vector<1x16xf32> to vector<16xf32>
        %swap3A_235 = vector.shape_cast %max3A_230 : vector<16xf32> to vector<1x16xf32>
        tpu.vector_store %arg13[%swap3A_231, %swap3A_232], %swap3A_235 {strides = array<i32>} : memref<64x128xf32, #tpu.memory_space<vmem>>, vector<1x16xf32>,
        %get3A_236 = arith.index_cast %add3A_119 : i32 to index
        %get3A_237 = arith.constant 112 : index
        %get3A_238 = tpu.vector_load %arg11[%get3A_236, %get3A_237] {strides = array<i32>} : memref<64x128xf32, #tpu.memory_space<vmem>>, vector<1x16xf32>,
        %get3A_239 = vector.shape_cast %get3A_238 : vector<1x16xf32> to vector<16xf32>
        %get3A_240 = arith.index_cast %add3A_119 : i32 to index
        %get3A_241 = arith.constant 112 : index
        %get3A_242 = tpu.vector_load %arg13[%get3A_240, %get3A_241] {strides = array<i32>} : memref<64x128xf32, #tpu.memory_space<vmem>>, vector<1x16xf32>,
        %get3A_243 = vector.shape_cast %get3A_242 : vector<1x16xf32> to vector<16xf32>
        %add3A_244 = arith.addf %get3A_239, %get3A_243 : vector<16xf32>
        %max3A_245 = arith.constant 0.000000e+00 : f32
        %max3A_246 = vector.broadcast %max3A_245 : f32 to vector<16xf32>
        %max3A_247 = arith.maximumf %add3A_244, %max3A_246 : vector<16xf32>
        %swap3A_248 = arith.index_cast %add3A_119 : i32 to index
        %swap3A_249 = arith.constant 112 : index
        %swap3A_250 = tpu.vector_load %arg13[%swap3A_248, %swap3A_249] {strides = array<i32>} : memref<64x128xf32, #tpu.memory_space<vmem>>, vector<1x16xf32>,
        %swap3A_251 = vector.shape_cast %swap3A_250 : vector<1x16xf32> to vector<16xf32>
        %swap3A_252 = vector.shape_cast %max3A_247 : vector<16xf32> to vector<1x16xf32>
        tpu.vector_store %arg13[%swap3A_248, %swap3A_249], %swap3A_252 {strides = array<i32>} : memref<64x128xf32, #tpu.memory_space<vmem>>, vector<1x16xf32>,
      }
      %scan3A_114 = arith.constant 64 : i32
      "tpu.region"() ({
        %run_scoped3A = tpu.sem_alloc : memref<!tpu.dma_semaphore, #tpu.memory_space<semaphore_mem>>
        %dma_start3A_115 = arith.constant 0 : i32
        %dma_start3A_116 = arith.constant 0 : i32
        %dma_start3A_117 = tpu.memref_slice %arg14[%dma_start3A_115, %dma_start3A_116] : memref<10240x128xf32, #tpu.memory_space<vmem_shared>> -> memref<10240x128xf32, #tpu.memory_space<vmem_shared>>
        tpu.enqueue_indirect_dma source(%arg13 : memref<64x128xf32, #tpu.memory_space<vmem>>) target(%dma_start3A_117 : memref<10240x128xf32, #tpu.memory_space<vmem_shared>>) offsets(%arg9 : memref<64xi32, #tpu.memory_space<vmem>>) semaphore(%run_scoped3A : memref<!tpu.dma_semaphore, #tpu.memory_space<semaphore_mem>>) {add = true}
        %dma_wait3A_118 = arith.constant 0 : i32
        %dma_wait3A_119 = arith.constant 0 : i32
        %dma_wait3A_120 = tpu.memref_slice %arg14[%dma_wait3A_118, %dma_wait3A_119] : memref<10240x128xf32, #tpu.memory_space<vmem_shared>> -> memref<10240x128xf32, #tpu.memory_space<vmem_shared>>
        tpu.wait_indirect_dma semaphore(%run_scoped3A : memref<!tpu.dma_semaphore, #tpu.memory_space<semaphore_mem>>) src(%arg13 : memref<64x128xf32, #tpu.memory_space<vmem>>) dst(%dma_wait3A_120 : memref<10240x128xf32, #tpu.memory_space<vmem_shared>>)
        tpu.yield
      }) : () -> ()
    }
    %scan3A_50 = arith.constant 80 : i32
    %barrier3A_51 = arith.constant 0 : index
    tpu.barrier barrier_id(%barrier3A_51)
    "tpu.region"() ({
      %run_scoped3A = tpu.sem_alloc : memref<!tpu.dma_semaphore, #tpu.memory_space<semaphore_mem>>
      %dma_start3A_52 = arith.constant 0 : i32
      %dma_start3A_53 = arith.constant 0 : i32
      %dma_start3A_54 = tpu.memref_slice %arg6[%arg0, %dma_start3A_52, %dma_start3A_53] : memref<2x10240x128xf32, #tpu.memory_space<hbm>> -> memref<1x10240x128xf32, #tpu.memory_space<hbm>>
      %dma_start3A_55 = tpu.memref_squeeze %dma_start3A_54 : memref<1x10240x128xf32, #tpu.memory_space<hbm>> -> memref<10240x128xf32, #tpu.memory_space<hbm>>
      %dma_start3A_56 = arith.constant 0 : i32
      %dma_start3A_57 = tpu.memref_slice %dma_start3A_55[%mul3A_7, %dma_start3A_56] : memref<10240x128xf32, #tpu.memory_space<hbm>> -> memref<640x128xf32, #tpu.memory_space<hbm>>
      %dma_start3A_58 = arith.constant 0 : i32
      %dma_start3A_59 = tpu.memref_slice %arg14[%mul3A_7, %dma_start3A_58] : memref<10240x128xf32, #tpu.memory_space<vmem_shared>> -> memref<640x128xf32, #tpu.memory_space<vmem_shared>>
      tpu.enqueue_dma source(%dma_start3A_59 : memref<640x128xf32, #tpu.memory_space<vmem_shared>>) target(%dma_start3A_57 : memref<640x128xf32, #tpu.memory_space<hbm>>) target_semaphore(%run_scoped3A : memref<!tpu.dma_semaphore, #tpu.memory_space<semaphore_mem>>)
      %dma_wait3A = arith.constant 0 : i32
      %dma_wait3A_60 = arith.constant 0 : i32
      %dma_wait3A_61 = tpu.memref_slice %arg6[%arg0, %dma_wait3A, %dma_wait3A_60] : memref<2x10240x128xf32, #tpu.memory_space<hbm>> -> memref<1x10240x128xf32, #tpu.memory_space<hbm>>
      %dma_wait3A_62 = tpu.memref_squeeze %dma_wait3A_61 : memref<1x10240x128xf32, #tpu.memory_space<hbm>> -> memref<10240x128xf32, #tpu.memory_space<hbm>>
      %dma_wait3A_63 = arith.constant 0 : i32
      %dma_wait3A_64 = tpu.memref_slice %dma_wait3A_62[%mul3A_7, %dma_wait3A_63] : memref<10240x128xf32, #tpu.memory_space<hbm>> -> memref<640x128xf32, #tpu.memory_space<hbm>>
      %dma_wait3A_65 = arith.constant 0 : i32
      %dma_wait3A_66 = tpu.memref_slice %arg14[%mul3A_7, %dma_wait3A_65] : memref<10240x128xf32, #tpu.memory_space<vmem_shared>> -> memref<640x128xf32, #tpu.memory_space<vmem_shared>>
      tpu.wait_dma2 semaphore(%run_scoped3A : memref<!tpu.dma_semaphore, #tpu.memory_space<semaphore_mem>>) src(%dma_wait3A_66 : memref<640x128xf32, #tpu.memory_space<vmem_shared>>) dst(%dma_wait3A_64 : memref<640x128xf32, #tpu.memory_space<hbm>>)
      tpu.yield
    }) : () -> ()
    return
  }
}

module attributes {stable_mosaic.version = 14 : i64} {
  func.func @_tnode_body(%arg0: memref<10000x128xf32, #tpu.memory_space<vmem>>, %arg1: memref<128x128xf32, #tpu.memory_space<vmem>>, %arg2: memref<10000x128xf32, #tpu.memory_space<vmem>>) attributes {dimension_semantics = [], scalar_prefetch = 0 : i64, scratch_operands = 0 : i64, tpu.core_type = #tpu.core_type<tc>} {
    %get3A = arith.constant 0 : index
    %get3A_0 = arith.constant 0 : index
    %get3A_1 = vector.load %arg0[%get3A, %get3A_0] : memref<10000x128xf32, #tpu.memory_space<vmem>>, vector<10000x128xf32>
    %get3A_2 = arith.constant 0 : index
    %get3A_3 = arith.constant 0 : index
    %get3A_4 = vector.load %arg1[%get3A_2, %get3A_3] : memref<128x128xf32, #tpu.memory_space<vmem>>, vector<128x128xf32>
    %dot_general3A = arith.constant dense<0.000000e+00> : vector<10000x128xf32>
    %dot_general3A_5 = tpu.matmul %get3A_1, %get3A_4, %dot_general3A {dimension_numbers = #tpu.dot_dimension_numbers<[1], [0], [0], [1], [0, 0, 1, 1], [], []>, transpose_lhs_hint = false} : vector<10000x128xf32>, vector<128x128xf32>, vector<10000x128xf32> -> vector<10000x128xf32>
    %swap3A = arith.constant 0 : index
    %swap3A_6 = arith.constant 0 : index
    %swap3A_7 = vector.load %arg2[%swap3A, %swap3A_6] : memref<10000x128xf32, #tpu.memory_space<vmem>>, vector<10000x128xf32>
    tpu.vector_store %arg2[%swap3A, %swap3A_6], %dot_general3A_5 {strides = array<i32>} : memref<10000x128xf32, #tpu.memory_space<vmem>>, vector<10000x128xf32>,
    return
  }
}

module attributes {stable_mosaic.version = 14 : i64} {
  func.func @_efeat_body(%arg0: i32, %arg1: memref<8192x32xf32, #tpu.memory_space<vmem>>, %arg2: memref<32x128xf32, #tpu.memory_space<vmem>>, %arg3: memref<128xf32, #tpu.memory_space<vmem>>, %arg4: memref<8192x128xf32, #tpu.memory_space<vmem>>) attributes {dimension_semantics = [#tpu.dimension_semantics<arbitrary>], iteration_bounds = array<i64: 40>, scalar_prefetch = 0 : i64, scratch_operands = 0 : i64, tpu.core_type = #tpu.core_type<tc>, window_params = [{transform_indices = @transform_0, window_bounds = array<i64: 8192, 32>}, {pipeline_mode = #tpu.pipeline_mode<synchronous>, transform_indices = @transform_1, window_bounds = array<i64: 32, 128>}, {pipeline_mode = #tpu.pipeline_mode<synchronous>, transform_indices = @transform_2, window_bounds = array<i64: 128>}, {transform_indices = @transform_3, window_bounds = array<i64: 8192, 128>}]} {
    %get3A = arith.constant 0 : index
    %get3A_0 = arith.constant 0 : index
    %get3A_1 = vector.load %arg1[%get3A, %get3A_0] : memref<8192x32xf32, #tpu.memory_space<vmem>>, vector<8192x32xf32>
    %get3A_2 = arith.constant 0 : index
    %get3A_3 = arith.constant 0 : index
    %get3A_4 = vector.load %arg2[%get3A_2, %get3A_3] : memref<32x128xf32, #tpu.memory_space<vmem>>, vector<32x128xf32>
    %dot_general3A = arith.constant dense<0.000000e+00> : vector<8192x128xf32>
    %dot_general3A_5 = tpu.matmul %get3A_1, %get3A_4, %dot_general3A {dimension_numbers = #tpu.dot_dimension_numbers<[1], [0], [0], [1], [0, 0, 1, 1], [], []>, transpose_lhs_hint = false} : vector<8192x32xf32>, vector<32x128xf32>, vector<8192x128xf32> -> vector<8192x128xf32>
    %get3A_6 = arith.constant 0 : index
    %get3A_7 = vector.load %arg3[%get3A_6] : memref<128xf32, #tpu.memory_space<vmem>>, vector<128xf32>
    %broadcast_in_dim3A = vector.shape_cast %get3A_7 : vector<128xf32> to vector<1x128xf32>
    %add3A = vector.broadcast %broadcast_in_dim3A : vector<1x128xf32> to vector<8192x128xf32>
    %add3A_8 = arith.addf %dot_general3A_5, %add3A : vector<8192x128xf32>
    %swap3A = arith.constant 0 : index
    %swap3A_9 = arith.constant 0 : index
    %swap3A_10 = vector.load %arg4[%swap3A, %swap3A_9] : memref<8192x128xf32, #tpu.memory_space<vmem>>, vector<8192x128xf32>
    tpu.vector_store %arg4[%swap3A, %swap3A_9], %add3A_8 {strides = array<i32>} : memref<8192x128xf32, #tpu.memory_space<vmem>>, vector<8192x128xf32>,
    return
  }
  func.func @transform_0(%arg0: i32) -> (i32, i32) {
    %c0_i32 = arith.constant 0 : i32
    %c0_i32_0 = arith.constant 0 : i32
    return %arg0, %c0_i32 : i32, i32
  }
  func.func @transform_1(%arg0: i32) -> (i32, i32) {
    %c0_i32 = arith.constant 0 : i32
    %c0_i32_0 = arith.constant 0 : i32
    %c0_i32_1 = arith.constant 0 : i32
    return %c0_i32, %c0_i32_0 : i32, i32
  }
  func.func @transform_2(%arg0: i32) -> i32 {
    %c0_i32 = arith.constant 0 : i32
    %c0_i32_0 = arith.constant 0 : i32
    return %c0_i32 : i32
  }
  func.func @transform_3(%arg0: i32) -> (i32, i32) {
    %c0_i32 = arith.constant 0 : i32
    %c0_i32_0 = arith.constant 0 : i32
    return %arg0, %c0_i32 : i32, i32
  }
}

module attributes {stable_mosaic.version = 14 : i64} {
  func.func @_final_body(%arg0: memref<2x10240x128xf32, #tpu.memory_space<vmem>>, %arg1: memref<10000x128xf32, #tpu.memory_space<vmem>>, %arg2: memref<128x128xf32, #tpu.memory_space<vmem>>, %arg3: memref<128xf32, #tpu.memory_space<vmem>>, %arg4: memref<128xf32, #tpu.memory_space<vmem>>, %arg5: memref<128xf32, #tpu.memory_space<vmem>>, %arg6: memref<10000x128xf32, #tpu.memory_space<vmem>>) attributes {dimension_semantics = [], scalar_prefetch = 0 : i64, scratch_operands = 0 : i64, tpu.core_type = #tpu.core_type<tc>} {
    %get3A = arith.constant 0 : index
    %get3A_0 = arith.constant 0 : index
    %get3A_1 = arith.constant 0 : index
    %get3A_2 = vector.load %arg0[%get3A, %get3A_0, %get3A_1] : memref<2x10240x128xf32, #tpu.memory_space<vmem>>, vector<1x10000x128xf32>
    %get3A_3 = vector.shape_cast %get3A_2 : vector<1x10000x128xf32> to vector<10000x128xf32>
    %get3A_4 = arith.constant 1 : index
    %get3A_5 = arith.constant 0 : index
    %get3A_6 = arith.constant 0 : index
    %get3A_7 = vector.load %arg0[%get3A_4, %get3A_5, %get3A_6] : memref<2x10240x128xf32, #tpu.memory_space<vmem>>, vector<1x10000x128xf32>
    %get3A_8 = vector.shape_cast %get3A_7 : vector<1x10000x128xf32> to vector<10000x128xf32>
    %add3A = arith.addf %get3A_3, %get3A_8 : vector<10000x128xf32>
    %get3A_9 = arith.constant 0 : index
    %get3A_10 = arith.constant 0 : index
    %get3A_11 = vector.load %arg1[%get3A_9, %get3A_10] : memref<10000x128xf32, #tpu.memory_space<vmem>>, vector<10000x128xf32>
    %add3A_12 = arith.addf %add3A, %get3A_11 : vector<10000x128xf32>
    %get3A_13 = arith.constant 0 : index
    %get3A_14 = arith.constant 0 : index
    %get3A_15 = vector.load %arg2[%get3A_13, %get3A_14] : memref<128x128xf32, #tpu.memory_space<vmem>>, vector<128x128xf32>
    %dot_general3A = arith.constant dense<0.000000e+00> : vector<10000x128xf32>
    %dot_general3A_16 = tpu.matmul %add3A_12, %get3A_15, %dot_general3A {dimension_numbers = #tpu.dot_dimension_numbers<[1], [0], [0], [1], [0, 0, 1, 1], [], []>, transpose_lhs_hint = false} : vector<10000x128xf32>, vector<128x128xf32>, vector<10000x128xf32> -> vector<10000x128xf32>
    %get3A_17 = arith.constant 0 : index
    %get3A_18 = vector.load %arg3[%get3A_17] : memref<128xf32, #tpu.memory_space<vmem>>, vector<128xf32>
    %broadcast_in_dim3A = vector.shape_cast %get3A_18 : vector<128xf32> to vector<1x128xf32>
    %add3A_19 = vector.broadcast %broadcast_in_dim3A : vector<1x128xf32> to vector<10000x128xf32>
    %add3A_20 = arith.addf %dot_general3A_16, %add3A_19 : vector<10000x128xf32>
    %reduce_sum3A = arith.constant dense<0.000000e+00> : vector<10000xf32>
    %reduce_sum3A_21 = vector.multi_reduction <add>, %add3A_20, %reduce_sum3A [1] : vector<10000x128xf32> to vector<10000xf32>
    %broadcast_in_dim3A_22 = vector.shape_cast %reduce_sum3A_21 : vector<10000xf32> to vector<10000x1xf32>
    %div3A = arith.constant 1.280000e+02 : f32
    %div3A_23 = vector.broadcast %div3A : f32 to vector<10000x1xf32>
    %div3A_24 = arith.divf %broadcast_in_dim3A_22, %div3A_23 : vector<10000x1xf32>
    %sub3A = vector.broadcast %div3A_24 : vector<10000x1xf32> to vector<10000x128xf32>
    %sub3A_25 = arith.subf %add3A_20, %sub3A : vector<10000x128xf32>
    %mul3A = arith.mulf %sub3A_25, %sub3A_25 : vector<10000x128xf32>
    %reduce_sum3A_26 = arith.constant dense<0.000000e+00> : vector<10000xf32>
    %reduce_sum3A_27 = vector.multi_reduction <add>, %mul3A, %reduce_sum3A_26 [1] : vector<10000x128xf32> to vector<10000xf32>
    %broadcast_in_dim3A_28 = vector.shape_cast %reduce_sum3A_27 : vector<10000xf32> to vector<10000x1xf32>
    %div3A_29 = arith.constant 1.280000e+02 : f32
    %div3A_30 = vector.broadcast %div3A_29 : f32 to vector<10000x1xf32>
    %div3A_31 = arith.divf %broadcast_in_dim3A_28, %div3A_30 : vector<10000x1xf32>
    %add3A_32 = arith.constant 9.99999974E-6 : f32
    %add3A_33 = vector.broadcast %add3A_32 : f32 to vector<10000x1xf32>
    %add3A_34 = arith.addf %div3A_31, %add3A_33 : vector<10000x1xf32>
    %rsqrt3A = math.rsqrt %add3A_34 : vector<10000x1xf32>
    %mul3A_35 = vector.broadcast %rsqrt3A : vector<10000x1xf32> to vector<10000x128xf32>
    %mul3A_36 = arith.mulf %sub3A_25, %mul3A_35 : vector<10000x128xf32>
    %get3A_37 = arith.constant 0 : index
    %get3A_38 = vector.load %arg4[%get3A_37] : memref<128xf32, #tpu.memory_space<vmem>>, vector<128xf32>
    %broadcast_in_dim3A_39 = vector.shape_cast %get3A_38 : vector<128xf32> to vector<1x128xf32>
    %mul3A_40 = vector.broadcast %broadcast_in_dim3A_39 : vector<1x128xf32> to vector<10000x128xf32>
    %mul3A_41 = arith.mulf %mul3A_36, %mul3A_40 : vector<10000x128xf32>
    %get3A_42 = arith.constant 0 : index
    %get3A_43 = vector.load %arg5[%get3A_42] : memref<128xf32, #tpu.memory_space<vmem>>, vector<128xf32>
    %broadcast_in_dim3A_44 = vector.shape_cast %get3A_43 : vector<128xf32> to vector<1x128xf32>
    %add3A_45 = vector.broadcast %broadcast_in_dim3A_44 : vector<1x128xf32> to vector<10000x128xf32>
    %add3A_46 = arith.addf %mul3A_41, %add3A_45 : vector<10000x128xf32>
    %max3A = arith.constant 0.000000e+00 : f32
    %max3A_47 = vector.broadcast %max3A : f32 to vector<10000x128xf32>
    %max3A_48 = arith.maximumf %add3A_46, %max3A_47 : vector<10000x128xf32>
    %swap3A = arith.constant 0 : index
    %swap3A_49 = arith.constant 0 : index
    %swap3A_50 = vector.load %arg6[%swap3A, %swap3A_49] : memref<10000x128xf32, #tpu.memory_space<vmem>>, vector<10000x128xf32>
    tpu.vector_store %arg6[%swap3A, %swap3A_49], %max3A_48 {strides = array<i32>} : memref<10000x128xf32, #tpu.memory_space<vmem>>, vector<10000x128xf32>,
    return
  }
}

</mosaic_0001>

<sc_bundles>
// kernel: kernel.6.cloned.1.call-start
scs
__scs_entry_jumppad:
0x0: {  	(pc) =	sbr.rel $0x88, $3  }
0x1: {  	(tag) =	ssettag $0x0;
	lr =	simm.s32 $0x1  }
0x2: {  	[smem:$0x3F96] =	sst lr;
	_ =	strace $0xD0000000  }
0x3: {  	_ = 	snop  }
0x4: {  	_ = 	snop  }
0x5: {  	_ = 	snop  }
0x6: {  	_ = 	snop  }
0x7: {  	_ = 	snop  }
__scs_overlays_trampoline_lowered:
0x8: {  	[smem:$0x3FA5] =	sst s0  }
0x9: {  	[smem:$0x3FA6] =	sst s1  }
0xa: {  	[smem:$0x3FA7] =	sst s2  }
0xb: {  	[smem:$0x3FA8] =	sst s3  }
0xc: {  	[smem:$0x3FA9] =	sst s4  }
0xd: {  	[smem:$0x3FAA] =	sst s5  }
0xe: {  	[smem:$0x3FAB] =	sst s6  }
0xf: {  	[smem:$0x3FAC] =	sst s7  }
0x10: {  	[smem:$0x3FAD] =	sst s8  }
0x11: {  	[smem:$0x3FAE] =	sst s9;
	s0 =	simm.s32 @!p0 $0x0  }
0x12: {  	s1 =	sld [smem:$0x3F94];
	s0 =	simm.s32 @p0 $0x1  }
0x13: {  	[smem:$0x3FAF] =	sst s0;
	s0 =	simm.s32 @!p1 $0x0  }
0x14: {  	s2 =	sld [smem:$0x3F93];
	s0 =	simm.s32 @p1 $0x1  }
0x15: {  	[smem:$0x3FB0] =	sst s0;
	s0 =	simm.s32 @!p2 $0x0  }
0x16: {  	s3 =	sld [smem:$0x3FDB];
	s0 =	simm.s32 @p2 $0x1  }
0x17: {  	s4 =	simm.s32 $0x1BF5;
	[smem:$0x3FB2] =	sst s0  }
0x18: {  	s0 =	sld [smem:$0x3F95];
	_ =	swait.ge [sflag:s4], $0x0  }
0x19: {  	s7 =	sld [smem:$0x3F96]  }
0x1a: {  	s8 =	sadd.s32 $0xFFFFE003, lr  }
0x1b: {  	s9 =	sadd.s32 $0xFFFFFEF7, lr;
	s5 =	simm.s32 $0xFFFFFFFF;
	p2 =	slt.u32 s8, $0xFFFFF086  }
0x1c: {  	p1 =	slt.u32 s9, $0xF7A;
	s5 =	simm.s32 @!p2 $0x0  }
0x1d: {  	s5 =	simm.s32 @p1 $0x1;
	p0 =	seq.s32 s7, s2  }
0x1e: {  	s7 =	smul.u32 @!p0 $0xF7A, s2;
	p2 =	seq.s32 @!p0 s5, $0x0  }
0x1f: {  	s9 =	smul.u32 $0xF7A, s1;
	s8 =	simm.s32 @!p0 $0x1BF5;
	p2 =	por !p2, p0  }
0x20: {  	[sflag:s8] =	ssyncset.s32 @!p0 $0xFFFFF086;
	s6 =	sadd.s32 @!p0 s3, s7;
	s7 =	simm.s32 @!p0 $0x108  }
0x21: {  	s3 =	sadd.s32 s3, s9;
	s6 =	sadd.s32 @!p0 $0x88, s6;
	s7 =	simm.s32 @p2 $0x1082  }
0x22: {  	[simem:s7], [sflag:s8] =	dma.local @!p0 [hbm:s6], $0xF7A  }
0x23: {  	s9 =	sor.u32 $0xD0000000, s2;
	s6 =	simm.s32 $0x108;
	_ =	swait.ge @!p0 [sflag:s8], $0x0  }
0x24: {  	s3 =	sadd.s32 $0x88, s3;
	s6 =	simm.s32 @!p1 $0x1082;
	[sflag:s4] =	ssyncset.s32 $0xFFFFF086  }
0x25: {  	[simem:s6], [sflag:s4] =	dma.local [hbm:s3], $0xF7A  }
0x26: {  	[smem:$0x3F96] =	sst s1;
	(tag) =	ssettag s2;
	_ =	strace s9  }
0x27: {  	s1 =	sld [smem:$0x3FA6]  }
0x28: {  	s2 =	sld [smem:$0x3FA7]  }
0x29: {  	s4 =	sld [smem:$0x3FA9]  }
0x2a: {  	p0 =	seq.s32 s5, $0x0;
	s5 =	sld [smem:$0x3FAA]  }
0x2b: {  	s6 =	sld [smem:$0x3FAB]  }
0x2c: {  	s7 =	sld [smem:$0x3FAC]  }
0x2d: {  	s3 =	simm.s32 $0x108;
	s8 =	sld [smem:$0x3FAD]  }
0x2e: {  	s3 =	simm.s32 @!p0 $0x1082;
	s9 =	sld [smem:$0x3FAE]  }
0x2f: {  	lr =	sadd.s32 s0, s3;
	s0 =	sld [smem:$0x3FA5]  }
0x30: {  	s3 =	sld [smem:$0x3FA8]  }
0x31: {  	[smem:$0x3FB1] =	sst s10  }
0x32: {  	s10 =	sld [smem:$0x3FAF];
	_ =	sdelay $0x3  }
0x33: {  	p0 =	seq.s32 s10, $0x1;
	s10 =	sld [smem:$0x3FB1];
	_ =	sdelay $0x3  }
0x34: {  	[smem:$0x3FB1] =	sst s10  }
0x35: {  	s10 =	sld [smem:$0x3FB0];
	_ =	sdelay $0x3  }
0x36: {  	p1 =	seq.s32 s10, $0x1;
	s10 =	sld [smem:$0x3FB1];
	_ =	sdelay $0x3  }
0x37: {  	[smem:$0x3FB1] =	sst s10  }
0x38: {  	s10 =	sld [smem:$0x3FB2]  }
0x39: {  	_ = 	snop;
	(pc) =	sbr.ind lr, $3  }
0x3a: {  	_ = 	snop  }
0x3b: {  	_ = 	snop  }
0x3c: {  	p2 =	seq.s32 s10, $0x1;
	s10 =	sld [smem:$0x3FB1]  }
0x3d: {  	_ =	shalt  }
0x3e: {  	_ =	shalt  }
0x3f: {  	_ =	shalt  }
0x40: {  	_ =	shalt  }
0x41: {  	_ =	shalt  }
0x42: {  	_ =	shalt  }
0x43: {  	_ =	shalt  }
0x44: {  	_ =	shalt  }
0x45: {  	_ =	shalt  }
0x46: {  	_ =	shalt  }
0x47: {  	_ =	shalt  }
0x48: {  	_ =	shalt  }
0x49: {  	_ =	shalt  }
0x4a: {  	_ =	shalt  }
0x4b: {  	_ =	shalt  }
0x4c: {  	_ =	shalt  }
0x4d: {  	_ =	shalt  }
0x4e: {  	_ =	shalt  }
0x4f: {  	_ =	shalt  }
0x50: {  	_ =	shalt  }
0x51: {  	_ =	shalt  }
0x52: {  	_ =	shalt  }
0x53: {  	_ =	shalt  }
0x54: {  	_ =	shalt  }
0x55: {  	_ =	shalt  }
0x56: {  	_ =	shalt  }
0x57: {  	_ =	shalt  }
0x58: {  	_ =	shalt  }
0x59: {  	_ =	shalt  }
0x5a: {  	_ =	shalt  }
0x5b: {  	_ =	shalt  }
0x5c: {  	_ =	shalt  }
0x5d: {  	_ =	shalt  }
0x5e: {  	_ =	shalt  }
0x5f: {  	_ =	shalt  }
0x60: {  	_ =	shalt  }
0x61: {  	_ =	shalt  }
0x62: {  	_ =	shalt  }
0x63: {  	_ =	shalt  }
0x64: {  	_ =	shalt  }
0x65: {  	_ =	shalt  }
0x66: {  	_ =	shalt  }
0x67: {  	_ =	shalt  }
0x68: {  	_ =	shalt  }
0x69: {  	_ =	shalt  }
0x6a: {  	_ =	shalt  }
0x6b: {  	_ =	shalt  }
0x6c: {  	_ =	shalt  }
0x6d: {  	_ =	shalt  }
0x6e: {  	_ =	shalt  }
0x6f: {  	_ =	shalt  }
0x70: {  	_ =	shalt  }
0x71: {  	_ =	shalt  }
0x72: {  	_ =	shalt  }
0x73: {  	_ =	shalt  }
0x74: {  	_ =	shalt  }
0x75: {  	_ =	shalt  }
0x76: {  	_ =	shalt  }
0x77: {  	_ =	shalt  }
0x78: {  	_ =	shalt  }
0x79: {  	_ =	shalt  }
0x7a: {  	_ =	shalt  }
0x7b: {  	_ =	shalt  }
0x7c: {  	_ =	shalt  }
0x7d: {  	_ =	shalt  }
0x7e: {  	_ =	shalt  }
0x7f: {  	_ =	shalt  }
0x80: {  	_ =	shalt  }
0x81: {  	_ =	shalt  }
0x82: {  	_ =	shalt  }
0x83: {  	_ =	shalt  }
0x84: {  	_ =	shalt  }
0x85: {  	_ =	shalt  }
0x86: {  	_ =	shalt  }
0x87: {  	_ =	shalt  }
.Lfunc_end0:
.L_simem_size_0:
called_computation.1_lowered:
.L_overlay_start_0:
0x88: {  	s2 =	sld [smem:$0x3FD9]  }
0x89: {  	s3 =	sld [smem:$0x3FFE];
	_ =	sdelay $0x1  }
0x8a: {  	s1 =	srdreg.scid  }
0x8b: {  	s0 =	sand.u32 $0x1, s1  }
0x8c: {  	s17 =	sshll.u32 s0, $0xA;
	s2 =	sadd.s32 s3, s2  }
0x8d: {  	s2 =	sadd.s32 s2, s17  }
0x8e: {  	[smem:$0x3FBD] =	sst s2  }
0x8f: {  	_ = 	snop  }
0x90: {  	s2 =	sld [smem:$0x3FD0];
	(tm) =	ssettm $0x1  }
0x91: {  	s18 =	sld [smem:$0x3FFB];
	_ =	sdelay $0x3  }
0x92: {  	_ =	strace s18  }
0x93: {  	s3 =	sld [smem:$0x3FFC];
	_ =	sdelay $0x3  }
0x94: {  	_ =	strace s3  }
0x95: {  	s3 =	sld [smem:$0x3FFD];
	_ =	sdelay $0x3  }
0x96: {  	_ =	strace s3  }
0x97: {  	_ =	strace $0x8FFFFFFF  }
0x98: {  	s19 =	sld [smem:$0x3FDB];
	_ =	sdelay $0x1  }
0x99: {  	s4 =	simm.s32 $_scs_section_size  }
0x9a: {  	s5 =	simm.s32 $_size__tile_overlayer_lowered;
	s6 =	simm.s32 $_tile_overlayer_lowered  }
0x9b: {  	s22 =	simm.s32 $0x1BFF;
	s21 =	sshll.u32 s6, $0x1;
	s3 =	sadd.s32 s4, s19  }
0x9c: {  	s7 =	simm.s32 $0x0;
	s20 =	sshll.u32 s5, $0x1;
	s5 =	sadd.s32 s21, s3  }
0x9d: {  	[timem:s7], [sflag:s22] =	dma.local [hbm:s5], s20  }
0x9e: {  	_ =	swait.ge [sflag:s22], s20  }
0x9f: {  	s4 =	ssub.s32 $0x0, s20;
	[sflag:s22] =	ssyncset.done $0x0  }
0xa0: {  	[sflag:s22] =	ssyncadd.s32 s4;
	_ =	sdelay $0x1  }
0xa1: {  	s23 =	simm.s32 $0x1B8B  }
0xa2: {  	_ =	swait.ge [sflag:s23], $0x1  }
0xa3: {  	[sflag:s23] =	ssyncset.done $0x0  }
0xa4: {  	s25 =	simm.s32 $0x1B8E;
	s24 =	sld [smem:$0x3FFE];
	[sflag:s23] =	ssyncadd.s32 $0xFFFFFFFF  }
0xa5: {  	s26 =	simm.s32 $execute0_lowered;
	[smem:$0x3FD2] =	sst s25  }
0xa6: {  	s5 =	sshll.u32 s26, $0x1;
	_ =	strace $0x80000049;
	[dreg:$0x1] =	wrdreg $0xFFFFFFFF  }
0xa7: {  	s28 =	simm.s32 $_size_execute0_lowered;
	s3 =	sadd.s32 s3, s5;
	[dreg:$0x0] =	wrdreg $0x0  }
0xa8: {  	s5 =	sshll.u32 s28, $0x1;
	[dreg:$0x2] =	wrdreg s3  }
0xa9: {  	[dreg:$0x3] =	wrdreg s5  }
0xaa: {  	[dreg:$0x4] =	wrdreg $0xC0  }
0xab: {  	_ =	task [dreg:s7], $0x5FFFF  }
0xac: {  	[dreg:$0x1] =	wrdreg $0xFFFFFFFF  }
0xad: {  	[dreg:$0x0] =	wrdreg $0x60  }
0xae: {  	[dreg:$0x2] =	wrdreg s2  }
0xaf: {  	[dreg:$0x3] =	wrdreg s24  }
0xb0: {  	[dreg:$0x4] =	wrdreg $0xA9000  }
0xb1: {  	[dreg:$0x5] =	wrdreg $0x9  }
0xb2: {  	_ =	task.clear_ibuf [dreg:s7], $0x6FFFF;
	_ =	strace $0x90000049  }
0xb3: {  	s29 =	simm.s32 $0x9;
	_ =	strace $0x8000004B  }
0xb4: {  	_ =	swait.ge [sflag:s29], $0x1  }
0xb5: {  	[sflag:s29] =	ssyncadd.s32 $0xFFFFFFFF  }
0xb6: {  	_ =	strace $0x9000004B  }
0xb7: {  	_ =	sfence  }
0xb8: {  	s30 =	sld [smem:$0x0];
	_ =	sdelay $0x2  }
0xb9: {  	s31 =	sshll.u32 s1, $0xD;
	s1 =	sshrl.u32 s1, $0x2  }
0xba: {  	s3 =	sand.u32 $0x4000, s31;
	s1 =	sadd.s32 s1, s30  }
0xbb: {  	s0 =	sor.u32 s3, s0;
	s1 =	sshll.u32 s1, $0x11  }
0xbc: {  	s0 =	sor.u32 s1, s0  }
0xbd: {  	s0 =	sadd.s32 $0x8F2B, s0  }
0xbe: {  	[sflag:s0] =	ssyncadd.remote.s32 $0x1  }
0xbf: {  	_ =	sfence.sel $0xFFFF  }
0xc0: {  	[dreg:$0x0] =	wrdreg $0xFFFFFFFF;
	(pc) =	sbr.abs _section_cstart, $3  }
0xc1: {  	[dreg:$0x1] =	wrdreg $0xFFFFFFFF  }
0xc2: {  	_ =	task.clear_ibuf [dreg:s7], $0x2FFFF;
	_ =	strace $0x9FFFFFFF  }
0xc3: {  	(tm) =	ssettm $0x7FFFFFFF  }
tec
execute0_lowered:
.L_overlay_start_1:
0x0: {  	(tag) =	ssettag $0x1  }
0x1: {  	s1 =	rddreg [dreg:$0x0]  }
0x2: {  	s0 =	srdreg.scid;
	s2 =	rddreg [dreg:$0x1]  }
0x3: {  	s10 =	stileid.u32;
	s3 =	rddreg [dreg:$0x2]  }
0x4: {  	s7 =	simm.s32 $0x0;
	s28 =	simm.s32 $0x2900;
	s29 =	simm.s32 $0x40  }
0x5: {  	s30 =	simm.s32 $0x6900;
	s31 =	simm.s32 $0x2800;
	s12 =	simm.s32 $0x6  }
0x6: {  	s0 =	sand.u32 $0x1, s0;
	s6 =	sshll.u32 s10, $0x7;
	s8 =	smul.u32 $0x50000, s10  }
0x7: {  	[smem:$0x7FF] =	sst s7;
	s26 =	smul.u32 $0x2800, s10;
	s4 =	sshll.u32 s0, $0x4  }
0x8: {  	s6 =	sand.u32 $0x380, s6;
	_ =	strace $0x8000004A;
	s8 =	sshrl.u32 s8, $0x2  }
0x9: {  	s13 =	smul.u32 $0x28000, s0;
	s0 =	ssub.s32 $0x2, s0;
	s8 =	sadd.s32 s8, s3  }
0xa: {  	s4 =	sor.u32 s10, s4;
	s14 =	sshrl.u32 s0, $0x1;
	s16 =	sadd.s32 $0x2000, s8  }
0xb: {  	s10 =	simm.s32 $0x4;
	s17 =	sadd.s32 $0x4000, s8;
	[dreg:$0x5] =	wrdreg s16  }
0xc: {  	s5 =	sshrl.u32 s4, $0x3;
	s18 =	sadd.s32 $0x6000, s8;
	[dreg:$0x6] =	wrdreg s17  }
0xd: {  	s0 =	ssub.s32 s0, s14;
	s19 =	sadd.s32 $0x8000, s8;
	[dreg:$0x7] =	wrdreg s18  }
0xe: {  	s11 =	smul.u32 $0x2800, s4;
	s21 =	sadd.s32 $0xA000, s8;
	[dreg:$0x8] =	wrdreg s19  }
0xf: {  	s20 =	smul.u32 $0x28000, s4;
	s22 =	sadd.s32 $0xC000, s8;
	[dreg:$0x9] =	wrdreg s21  }
0x10: {  	s5 =	smul.u32 $0x14000, s5;
	s23 =	sadd.s32 $0xE000, s8;
	[dreg:$0xa] =	wrdreg s22  }
0x11: {  	s24 =	sadd.s32 $0x10000, s8;
	s16 =	smul.u32 $0xA0, s4;
	[dreg:$0xb] =	wrdreg s23  }
0x12: {  	s25 =	sadd.s32 $0x12000, s8;
	[dreg:$0xc] =	wrdreg s24;
	s4 =	smul.u32 $0xA00, s4  }
0x13: {  	[dreg:$0xd] =	wrdreg s25;
	s22 =	smax.u32 s0, $0x1;
	s23 =	simm.s32 $0x2880  }
0x14: {  	s25 =	simm.s32 $0x1;
	s6 =	sor.u32 s6, s5;
	s5 =	sadd.s32 $0x1C00, s2  }
0x15: {  	s0 =	simm.s32 $0x3;
	s6 =	sshrl.u32 s6, $0x3;
	s7 =	sadd.s32 s5, s20  }
0x16: {  	s9 =	sadd.s32 s6, s2;
	s6 =	sadd.s32 $0x61C400, s2;
	s2 =	sadd.s32 s13, s2  }
0x17: {  	[dreg:$0xe] =	wrdreg s7;
	s7 =	simm.s32 $0x5;
	s13 =	simm.s32 $0x0  }
0x18: {  	s15 =	sadd.s32 $0x630400, s9;
	s21 =	sadd.s32 s6, s4;
	s2 =	sadd.s32 $0x501C00, s2  }
0x19: {  	s4 =	simm.s32 $0x8900;
	s9 =	simm.s32 $0x2;
	[dreg:$0x4] =	wrdreg s15  }
0x1a: {  	v0 =	vimm.f32 $0.0e+00;
	s24 =	sadd.s32 s26, s2;
	s26 =	simm.s32 $0x7;
	s2 =	simm.s32 $0x4900  }
.LBB2_1:
0x1b: {  	s14 =	simm.s32 $0x0  }
0x1c: {  	s15 =	rddreg [dreg:$0x4];
	s17 =	simm.s32 $0x80;
	s18 =	simm.s32 $0x400  }
0x1d: {  	[tilespmem:s14], [sflag:$0x7] =	stream.strided.gather [hbm4b:s15+s17], $0x2800, s18, s17, $0x38;
	[tilespmem:$0x1E900] =	vst v63  }
0x1e: {  	_ =	swait.ge [sflag:s26], $0x2800  }
0x1f: {  	[sflag:s26] =	ssyncset.done $0x0  }
0x20: {  	s14 =	simm.s32 $0x0;
	s15 =	simm.s32 $0x200;
	[sflag:s26] =	ssyncadd.s32 $0xFFFFD800  }
.LBB2_2:
0x21: {  	p0 =	sne.s32 s15, $0x7E00;
	[tilespmem:s14+$0x2970] =	vst v0  }
0x22: {  	[tilespmem:s14+$0x2900] =	vst v0  }
0x23: {  	[tilespmem:s14+$0x2910] =	vst v0  }
.Ltmp0:
0x24: {  	[tilespmem:s14+$0x2920] =	vst v0;
	(pc) =	sbr.rel @p0 .LBB2_2-.Ltmp0, $4  }
0x25: {  	[tilespmem:s14+$0x2930] =	vst v0  }
0x26: {  	[tilespmem:s14+$0x2940] =	vst v0  }
0x27: {  	[tilespmem:s14+$0x2950] =	vst v0  }
0x28: {  	[tilespmem:s14+$0x2960] =	vst v0;
	s14 =	sshra.s32 s15, $0x2;
	s15 =	sadd.s32 $0x200, s15  }
0x29: {  	[tilespmem:s14+$0x2970] =	vst v0  }
0x2a: {  	[tilespmem:s14+$0x2900] =	vst v0  }
0x2b: {  	[tilespmem:s14+$0x2910] =	vst v0  }
0x2c: {  	[tilespmem:s14+$0x2920] =	vst v0  }
0x2d: {  	[tilespmem:s14+$0x2930] =	vst v0  }
0x2e: {  	[tilespmem:s14+$0x2940] =	vst v0  }
0x2f: {  	[tilespmem:s14+$0x2950] =	vst v0  }
0x30: {  	[tilespmem:s14+$0x2960] =	vst v0  }
0x31: {  	[spmem:s8] =	stream.linear.scatter [tilespmem:s28], [sflag:$0x7], $0x2000, $0x38;
	[tilespmem:$0x1E900] =	vst v63  }
0x32: {  	_ =	swait.ge [sflag:s26], $0x2000  }
0x33: {  	[sflag:s26] =	ssyncset.done $0x0  }
0x34: {  	s17 =	rddreg [dreg:$0x5];
	[sflag:s26] =	ssyncadd.s32 $0xFFFFE000  }
0x35: {  	[spmem:s17] =	stream.linear.scatter [tilespmem:s28], [sflag:$0x7], $0x2000, $0x38;
	[tilespmem:$0x1E900] =	vst v63  }
0x36: {  	_ =	swait.ge [sflag:s26], $0x2000  }
0x37: {  	[sflag:s26] =	ssyncset.done $0x0  }
0x38: {  	s18 =	rddreg [dreg:$0x6];
	[sflag:s26] =	ssyncadd.s32 $0xFFFFE000  }
0x39: {  	[spmem:s18] =	stream.linear.scatter [tilespmem:s28], [sflag:$0x7], $0x2000, $0x38;
	[tilespmem:$0x1E900] =	vst v63  }
0x3a: {  	_ =	swait.ge [sflag:s26], $0x2000  }
0x3b: {  	[sflag:s26] =	ssyncset.done $0x0  }
0x3c: {  	s19 =	rddreg [dreg:$0x7];
	[sflag:s26] =	ssyncadd.s32 $0xFFFFE000  }
0x3d: {  	[spmem:s19] =	stream.linear.scatter [tilespmem:s28], [sflag:$0x7], $0x2000, $0x38;
	[tilespmem:$0x1E900] =	vst v63  }
0x3e: {  	_ =	swait.ge [sflag:s26], $0x2000  }
0x3f: {  	[sflag:s26] =	ssyncset.done $0x0  }
0x40: {  	s20 =	rddreg [dreg:$0x8];
	[sflag:s26] =	ssyncadd.s32 $0xFFFFE000  }
0x41: {  	[spmem:s20] =	stream.linear.scatter [tilespmem:s28], [sflag:$0x7], $0x2000, $0x38;
	[tilespmem:$0x1E900] =	vst v63  }
0x42: {  	_ =	swait.ge [sflag:s26], $0x2000  }
0x43: {  	[sflag:s26] =	ssyncset.done $0x0  }
0x44: {  	s15 =	rddreg [dreg:$0x9];
	[sflag:s26] =	ssyncadd.s32 $0xFFFFE000  }
0x45: {  	[spmem:s15] =	stream.linear.scatter [tilespmem:s28], [sflag:$0x7], $0x2000, $0x38;
	[tilespmem:$0x1E900] =	vst v63  }
0x46: {  	_ =	swait.ge [sflag:s26], $0x2000  }
0x47: {  	[sflag:s26] =	ssyncset.done $0x0  }
0x48: {  	s17 =	rddreg [dreg:$0xa];
	[sflag:s26] =	ssyncadd.s32 $0xFFFFE000  }
0x49: {  	[spmem:s17] =	stream.linear.scatter [tilespmem:s28], [sflag:$0x7], $0x2000, $0x38;
	[tilespmem:$0x1E900] =	vst v63  }
0x4a: {  	_ =	swait.ge [sflag:s26], $0x2000  }
0x4b: {  	[sflag:s26] =	ssyncset.done $0x0  }
0x4c: {  	s18 =	rddreg [dreg:$0xb];
	[sflag:s26] =	ssyncadd.s32 $0xFFFFE000  }
0x4d: {  	[spmem:s18] =	stream.linear.scatter [tilespmem:s28], [sflag:$0x7], $0x2000, $0x38;
	[tilespmem:$0x1E900] =	vst v63  }
0x4e: {  	_ =	swait.ge [sflag:s26], $0x2000  }
0x4f: {  	[sflag:s26] =	ssyncset.done $0x0  }
0x50: {  	s19 =	rddreg [dreg:$0xc];
	[sflag:s26] =	ssyncadd.s32 $0xFFFFE000  }
0x51: {  	[spmem:s19] =	stream.linear.scatter [tilespmem:s28], [sflag:$0x7], $0x2000, $0x38;
	[tilespmem:$0x1E900] =	vst v63  }
0x52: {  	_ =	swait.ge [sflag:s26], $0x2000  }
0x53: {  	[sflag:s26] =	ssyncset.done $0x0  }
0x54: {  	s20 =	rddreg [dreg:$0xd];
	[sflag:s26] =	ssyncadd.s32 $0xFFFFE000  }
0x55: {  	[spmem:s20] =	stream.linear.scatter [tilespmem:s28], [sflag:$0x7], $0x2000, $0x38;
	[tilespmem:$0x1E900] =	vst v63  }
0x56: {  	_ =	swait.ge [sflag:s26], $0x2000  }
0x57: {  	[sflag:s26] =	ssyncset.done $0x0  }
0x58: {  	[sflag:s26] =	ssyncadd.s32 $0xFFFFE000  }
0x59: {  	s14 =	simm.s32 $0x0;
	[bflag:$0x0] =	sbarrier.arrive $0xFFFF  }
0x5a: {  	[tilespmem:s28], [sflag:$0x1] =	stream.indirect.gather [hbm4b:s1+s29], $0x80, s14, s29, $0xb8;
	[tilespmem:$0x1E900] =	vst v63  }
0x5b: {  	s15 =	rddreg [dreg:$0xe]  }
0x5c: {  	[tilespmem:s30], [sflag:$0x3] =	stream.linear.gather [hbm4b:s15+s14], $0x2000, $0x38;
	[tilespmem:$0x1E900] =	vst v63  }
0x5d: {  	s15 =	simm.s32 $0x0  }
0x5e: {  	[tilespmem:s31], [sflag:$0x5] =	stream.linear.gather [hbm4b:s21+s14], $0x80, $0x38;
	[tilespmem:$0x1E900] =	vst v63  }
.LBB2_4:
0x5f: {  	s18 =	sshllo.u32 s15, $0x1  }
0x60: {  	s17 =	sshll.u32 s18, $0x6  }
0x61: {  	[tilespmem:s2], [sflag:$0x2] =	stream.indirect.gather [hbm4b:s1+s29], $0x80, s17, s29, $0xb8;
	[tilespmem:$0x1E900] =	vst v63  }
0x62: {  	s17 =	sadd.s32 s11, s17  }
0x63: {  	s19 =	sshll.u32 s17, $0x4;
	s17 =	sshll.u32 s15, $0x1  }
0x64: {  	s18 =	sshll.u32 s18, $0x4;
	s19 =	sadd.s32 s5, s19;
	s20 =	sadd.s32 s16, s17  }
0x65: {  	[tilespmem:s4], [sflag:$0x4] =	stream.linear.gather [hbm4b:s19+s14], $0x2000, $0x38;
	[tilespmem:$0x1E900] =	vst v63  }
0x66: {  	s18 =	sand.u32 $0x70, s18;
	s19 =	sshll.u32 s20, $0x4  }
0x67: {  	s18 =	sadd.s32 s6, s18;
	s19 =	sand.u32 $0xFFFFF80, s19  }
0x68: {  	s18 =	sadd.s32 s19, s18  }
0x69: {  	[tilespmem:s23], [sflag:$0x6] =	stream.linear.gather [hbm4b:s18+s14], $0x80, $0x38;
	[tilespmem:$0x1E900] =	vst v63  }
0x6a: {  	_ =	swait.ge [sflag:s25], $0x2000  }
0x6b: {  	[sflag:s25] =	ssyncset.done $0x0  }
0x6c: {  	[sflag:s25] =	ssyncadd.s32 $0xFFFFE000  }
0x6d: {  	_ =	swait.ge [sflag:s0], $0x2000  }
0x6e: {  	[sflag:s0] =	ssyncset.done $0x0  }
0x6f: {  	[sflag:s0] =	ssyncadd.s32 $0xFFFFE000  }
0x70: {  	_ =	swait.ge [sflag:s7], $0x80  }
0x71: {  	[sflag:s7] =	ssyncset.done $0x0  }
0x72: {  	s18 =	simm.s32 $0x0;
	[sflag:s7] =	ssyncadd.s32 $0xFFFFFF80  }
0x73: {  	v7 =	vld [tilespmem:s18+$0x2900]  }
0x74: {  	v12 =	vld [tilespmem:s18+$0x2910]  }
0x75: {  	v6 =	vld [tilespmem:s18+$0x2920]  }
0x76: {  	v5 =	vld [tilespmem:s18+$0x2930]  }
0x77: {  	v4 =	vld [tilespmem:s18+$0x2940]  }
0x78: {  	v3 =	vld [tilespmem:s18+$0x2950]  }
0x79: {  	v2 =	vld [tilespmem:s18+$0x2960]  }
0x7a: {  	v1 =	vld [tilespmem:s18+$0x2970]  }
0x7b: {  	v13 =	vld [tilespmem:s18+$0x6900]  }
0x7c: {  	v14 =	vld [tilespmem:s18+$0x6910]  }
0x7d: {  	v11 =	vld [tilespmem:s18+$0x6920]  }
0x7e: {  	v10 =	vld [tilespmem:s18+$0x6930]  }
0x7f: {  	v9 =	vld [tilespmem:s18+$0x6940]  }
0x80: {  	v8 =	vld [tilespmem:s18+$0x6950];
	v13 =	vadd.f32 v13, v7  }
0x81: {  	s19 =	simm.s32 $0x200;
	v12 =	vadd.f32 v14, v12;
	v7 =	vld [tilespmem:s18+$0x6960]  }
.LBB2_5:
0x82: {  	s20 =	sshra.s32 s19, $0x2;
	p0 =	sne.s32 s19, $0x7E00;
	v13 =	vmax.f32 v13, $0.0e+00;
	v6 =	vadd.f32 v11, v6;
	v11 =	vld [tilespmem:s18+$0x6970]  }
0x83: {  	v14 =	vld [tilespmem:s20+$0x2900];
	[tilespmem:s18+$0x6900] =	vst v13;
	v12 =	vmax.f32 v12, $0.0e+00;
	v5 =	vadd.f32 v10, v5  }
0x84: {  	v15 =	vld [tilespmem:s20+$0x2910];
	[tilespmem:s18+$0x6910] =	vst v12;
	v10 =	vmax.f32 v6, $0.0e+00;
	v4 =	vadd.f32 v9, v4  }
0x85: {  	v6 =	vld [tilespmem:s20+$0x2920];
	[tilespmem:s18+$0x6920] =	vst v10;
	v9 =	vmax.f32 v5, $0.0e+00;
	v3 =	vadd.f32 v8, v3  }
0x86: {  	v5 =	vld [tilespmem:s20+$0x2930];
	[tilespmem:s18+$0x6930] =	vst v9;
	v8 =	vmax.f32 v4, $0.0e+00;
	v2 =	vadd.f32 v7, v2  }
0x87: {  	v4 =	vld [tilespmem:s20+$0x2940];
	[tilespmem:s18+$0x6940] =	vst v8;
	v7 =	vmax.f32 v3, $0.0e+00;
	v1 =	vadd.f32 v11, v1  }
0x88: {  	v3 =	vld [tilespmem:s20+$0x2950];
	[tilespmem:s18+$0x6950] =	vst v7;
	v7 =	vmax.f32 v2, $0.0e+00  }
0x89: {  	v2 =	vld [tilespmem:s20+$0x2960];
	[tilespmem:s18+$0x6960] =	vst v7;
	v7 =	vmax.f32 v1, $0.0e+00  }
0x8a: {  	v1 =	vld [tilespmem:s20+$0x2970];
	[tilespmem:s18+$0x6970] =	vst v7;
	s18 =	smov.u32 s20  }
0x8b: {  	v7 =	vld [tilespmem:s18+$0x6900]  }
0x8c: {  	v12 =	vld [tilespmem:s18+$0x6910]  }
.Ltmp1:
0x8d: {  	v11 =	vld [tilespmem:s18+$0x6920];
	(pc) =	sbr.rel @p0 .LBB2_5-.Ltmp1, $4  }
0x8e: {  	v10 =	vld [tilespmem:s18+$0x6930]  }
0x8f: {  	v9 =	vld [tilespmem:s18+$0x6940]  }
0x90: {  	v13 =	vadd.f32 v7, v14;
	v8 =	vld [tilespmem:s18+$0x6950]  }
0x91: {  	s19 =	sadd.s32 $0x200, s19;
	v12 =	vadd.f32 v12, v15;
	v7 =	vld [tilespmem:s18+$0x6960]  }
0x92: {  	v13 =	vmax.f32 v13, $0.0e+00;
	v6 =	vadd.f32 v11, v6;
	v11 =	vld [tilespmem:s18+$0x6970]  }
0x93: {  	[tilespmem:s18+$0x6900] =	vst v13;
	v12 =	vmax.f32 v12, $0.0e+00;
	v5 =	vadd.f32 v10, v5  }
0x94: {  	[tilespmem:s18+$0x6910] =	vst v12;
	v6 =	vmax.f32 v6, $0.0e+00;
	v4 =	vadd.f32 v9, v4  }
0x95: {  	[tilespmem:s18+$0x6920] =	vst v6;
	v5 =	vmax.f32 v5, $0.0e+00;
	v3 =	vadd.f32 v8, v3  }
0x96: {  	[tilespmem:s18+$0x6930] =	vst v5;
	v4 =	vmax.f32 v4, $0.0e+00;
	v2 =	vadd.f32 v7, v2  }
0x97: {  	[tilespmem:s18+$0x6940] =	vst v4;
	v3 =	vmax.f32 v3, $0.0e+00;
	v1 =	vadd.f32 v11, v1  }
0x98: {  	[tilespmem:s18+$0x6950] =	vst v3;
	v2 =	vmax.f32 v2, $0.0e+00  }
0x99: {  	[tilespmem:s18+$0x6960] =	vst v2;
	v1 =	vmax.f32 v1, $0.0e+00  }
0x9a: {  	[tilespmem:s18+$0x6970] =	vst v1  }
0x9b: {  	[spmem:s3] =	stream.indirect.scatter.add.f32 [tilespmem:s30], [sflag:$0x7], $0x80, s31, s29, $0xb8;
	[tilespmem:$0x1E900] =	vst v63  }
0x9c: {  	p0 =	seq.s32 s15, $0x4F;
	_ =	swait.ge [sflag:s26], $0x2000  }
0x9d: {  	s17 =	sadd.s32 @!p0 $0x2, s17;
	s19 =	simm.s32 @!p0 $0x40;
	[sflag:s26] =	ssyncset.done $0x0  }
0x9e: {  	s20 =	simm.s32 @!p0 $0x2900;
	s18 =	sshll.u32 @!p0 s17, $0x6;
	[sflag:s26] =	ssyncadd.s32 $0xFFFFE000  }
0x9f: {  	[tilespmem:s20], [sflag:$0x1] =	stream.indirect.gather @!p0 [hbm4b:s1+s19], $0x80, s18, s19, $0xb8;
	[tilespmem:$0x1E900] =	vst v63  }
0xa0: {  	s18 =	sadd.s32 @!p0 s11, s18  }
0xa1: {  	s18 =	sshll.u32 @!p0 s18, $0x4  }
0xa2: {  	s19 =	simm.s32 @!p0 $0x0;
	s20 =	simm.s32 @!p0 $0x6900;
	s18 =	sadd.s32 @!p0 s5, s18  }
0xa3: {  	[tilespmem:s20], [sflag:$0x3] =	stream.linear.gather @!p0 [hbm4b:s18+s19], $0x2000, $0x38;
	[tilespmem:$0x1E900] =	vst v63  }
0xa4: {  	s18 =	sadd.s32 @!p0 s16, s17;
	s17 =	sshll.u32 @!p0 s17, $0x4  }
0xa5: {  	s18 =	sshll.u32 @!p0 s18, $0x4;
	s17 =	sand.u32 @!p0 $0x60, s17  }
0xa6: {  	s18 =	sand.u32 @!p0 $0xFFFFF80, s18;
	s17 =	sadd.s32 @!p0 s6, s17  }
0xa7: {  	s17 =	sadd.s32 @!p0 s18, s17;
	s18 =	simm.s32 @!p0 $0x2800  }
0xa8: {  	[tilespmem:s18], [sflag:$0x5] =	stream.linear.gather @!p0 [hbm4b:s17+s19], $0x80, $0x38;
	[tilespmem:$0x1E900] =	vst v63  }
0xa9: {  	_ =	swait.ge [sflag:s9], $0x2000  }
0xaa: {  	[sflag:s9] =	ssyncset.done $0x0  }
0xab: {  	[sflag:s9] =	ssyncadd.s32 $0xFFFFE000  }
0xac: {  	_ =	swait.ge [sflag:s10], $0x2000  }
0xad: {  	[sflag:s10] =	ssyncset.done $0x0  }
0xae: {  	[sflag:s10] =	ssyncadd.s32 $0xFFFFE000  }
0xaf: {  	_ =	swait.ge [sflag:s12], $0x80  }
0xb0: {  	[sflag:s12] =	ssyncset.done $0x0  }
0xb1: {  	s17 =	simm.s32 $0x0;
	[sflag:s12] =	ssyncadd.s32 $0xFFFFFF80  }
0xb2: {  	v7 =	vld [tilespmem:s17+$0x4900]  }
0xb3: {  	v12 =	vld [tilespmem:s17+$0x4910]  }
0xb4: {  	v6 =	vld [tilespmem:s17+$0x4920]  }
0xb5: {  	v5 =	vld [tilespmem:s17+$0x4930]  }
0xb6: {  	v4 =	vld [tilespmem:s17+$0x4940]  }
0xb7: {  	v3 =	vld [tilespmem:s17+$0x4950]  }
0xb8: {  	v2 =	vld [tilespmem:s17+$0x4960]  }
0xb9: {  	v1 =	vld [tilespmem:s17+$0x4970]  }
0xba: {  	v13 =	vld [tilespmem:s17+$0x8900]  }
0xbb: {  	v14 =	vld [tilespmem:s17+$0x8910]  }
0xbc: {  	v11 =	vld [tilespmem:s17+$0x8920]  }
0xbd: {  	v10 =	vld [tilespmem:s17+$0x8930]  }
0xbe: {  	v9 =	vld [tilespmem:s17+$0x8940]  }
0xbf: {  	v8 =	vld [tilespmem:s17+$0x8950];
	v13 =	vadd.f32 v13, v7  }
0xc0: {  	s18 =	simm.s32 $0x200;
	v12 =	vadd.f32 v14, v12;
	v7 =	vld [tilespmem:s17+$0x8960]  }
.LBB2_7:
0xc1: {  	s19 =	sshra.s32 s18, $0x2;
	p0 =	sne.s32 s18, $0x7E00;
	v13 =	vmax.f32 v13, $0.0e+00;
	v6 =	vadd.f32 v11, v6;
	v11 =	vld [tilespmem:s17+$0x8970]  }
0xc2: {  	v14 =	vld [tilespmem:s19+$0x4900];
	[tilespmem:s17+$0x8900] =	vst v13;
	v12 =	vmax.f32 v12, $0.0e+00;
	v5 =	vadd.f32 v10, v5  }
0xc3: {  	v15 =	vld [tilespmem:s19+$0x4910];
	[tilespmem:s17+$0x8910] =	vst v12;
	v10 =	vmax.f32 v6, $0.0e+00;
	v4 =	vadd.f32 v9, v4  }
0xc4: {  	v6 =	vld [tilespmem:s19+$0x4920];
	[tilespmem:s17+$0x8920] =	vst v10;
	v9 =	vmax.f32 v5, $0.0e+00;
	v3 =	vadd.f32 v8, v3  }
0xc5: {  	v5 =	vld [tilespmem:s19+$0x4930];
	[tilespmem:s17+$0x8930] =	vst v9;
	v8 =	vmax.f32 v4, $0.0e+00;
	v2 =	vadd.f32 v7, v2  }
0xc6: {  	v4 =	vld [tilespmem:s19+$0x4940];
	[tilespmem:s17+$0x8940] =	vst v8;
	v7 =	vmax.f32 v3, $0.0e+00;
	v1 =	vadd.f32 v11, v1  }
0xc7: {  	v3 =	vld [tilespmem:s19+$0x4950];
	[tilespmem:s17+$0x8950] =	vst v7;
	v7 =	vmax.f32 v2, $0.0e+00  }
0xc8: {  	v2 =	vld [tilespmem:s19+$0x4960];
	[tilespmem:s17+$0x8960] =	vst v7;
	v7 =	vmax.f32 v1, $0.0e+00  }
0xc9: {  	v1 =	vld [tilespmem:s19+$0x4970];
	[tilespmem:s17+$0x8970] =	vst v7;
	s17 =	smov.u32 s19  }
0xca: {  	v7 =	vld [tilespmem:s17+$0x8900]  }
0xcb: {  	v12 =	vld [tilespmem:s17+$0x8910]  }
.Ltmp2:
0xcc: {  	v11 =	vld [tilespmem:s17+$0x8920];
	(pc) =	sbr.rel @p0 .LBB2_7-.Ltmp2, $4  }
0xcd: {  	v10 =	vld [tilespmem:s17+$0x8930]  }
0xce: {  	v9 =	vld [tilespmem:s17+$0x8940]  }
0xcf: {  	v13 =	vadd.f32 v7, v14;
	v8 =	vld [tilespmem:s17+$0x8950]  }
0xd0: {  	s18 =	sadd.s32 $0x200, s18;
	v12 =	vadd.f32 v12, v15;
	v7 =	vld [tilespmem:s17+$0x8960]  }
0xd1: {  	v13 =	vmax.f32 v13, $0.0e+00;
	v6 =	vadd.f32 v11, v6;
	v63 =	vld [tilespmem:s17+$0x8970]  }
0xd2: {  	[tilespmem:s17+$0x8900] =	vst v13;
	v12 =	vmax.f32 v12, $0.0e+00;
	v5 =	vadd.f32 v10, v5  }
0xd3: {  	[tilespmem:s17+$0x8910] =	vst v12;
	v6 =	vmax.f32 v6, $0.0e+00;
	v4 =	vadd.f32 v9, v4  }
0xd4: {  	[tilespmem:s17+$0x8920] =	vst v6;
	v5 =	vmax.f32 v5, $0.0e+00;
	v3 =	vadd.f32 v8, v3  }
0xd5: {  	[tilespmem:s17+$0x8930] =	vst v5;
	v4 =	vmax.f32 v4, $0.0e+00;
	v2 =	vadd.f32 v7, v2  }
0xd6: {  	[tilespmem:s17+$0x8940] =	vst v4;
	v3 =	vmax.f32 v3, $0.0e+00;
	v1 =	vadd.f32 v63, v1  }
0xd7: {  	s15 =	sadd.s32 $0x1, s15;
	[tilespmem:s17+$0x8950] =	vst v3;
	v2 =	vmax.f32 v2, $0.0e+00  }
0xd8: {  	p0 =	sne.s32 s15, $0x50;
	[tilespmem:s17+$0x8960] =	vst v2;
	v1 =	vmax.f32 v1, $0.0e+00  }
.Ltmp3:
0xd9: {  	[tilespmem:s17+$0x8970] =	vst v1;
	(pc) =	sbr.rel @p0 .LBB2_4-.Ltmp3, $4  }
0xda: {  	[spmem:s3] =	stream.indirect.scatter.add.f32 [tilespmem:s4], [sflag:$0x7], $0x80, s23, s29, $0xb8;
	[tilespmem:$0x1E900] =	vst v63  }
0xdb: {  	_ =	swait.ge [sflag:s26], $0x2000  }
0xdc: {  	[sflag:s26] =	ssyncset.done $0x0  }
0xdd: {  	[sflag:s26] =	ssyncadd.s32 $0xFFFFE000  }
0xde: {  	s14 =	stileid.u32;
	s13 =	sadd.s32 $0x1, s13  }
0xdf: {  	[bflag:$0x0] =	sbarrier.arrive $0xFFFF;
	s14 =	sshll.u32 s14, $0x6;
	p0 =	sne.s32 s13, s22  }
.Ltmp4:
0xe0: {  	s15 =	sshrl.u32 s8, $0x3;
	s14 =	sor.u32 $0x1C07, s14;
	(pc) =	sbr.rel @p0 .LBB2_1-.Ltmp4, $4  }
0xe1: {  	[hbm:s24], [sflag:s14] =	dma.local [spmem:s15], $0x2800  }
0xe2: {  	_ =	swait.ge [sflag:s26], $0x2800  }
0xe3: {  	[sflag:s26] =	ssyncset.done $0x0  }
0xe4: {  	[sflag:s26] =	ssyncadd.s32 $0xFFFFD800  }
0xe5: {  	_ =	sfence.sel $0x180000  }
0xe6: {  	[bflag:$0x0] =	sbarrier.arrive $0xFFFF  }
0xe7: {  	_ =	strace $0x9000004A  }
0xe8: {  	s0 =	stileid.u32;
	[bflag:$0x2] =	sbarrier.arrive $0xFFFF  }
0xe9: {  	p0 =	sne.s32 s0, $0x0;
	s0 =	rddreg [dreg:$0x3]  }
0xea: {  	s0 =	sadd.s32 @!p0 $0x100000, s0  }
0xeb: {  	[sflag:s0] =	ssyncadd.tile.s32 @!p0 $0x1;
	_ =	shalt  }
.Lfunc_end2:
_tile_overlayer_lowered:
.L_overlay_start_2:
0xec: {  	(tag) =	ssettag $0x2  }
0xed: {  	s0 =	rddreg [dreg:$0x0];
	s2 =	stileid.u32  }
0xee: {  	s1 =	rddreg [dreg:$0x1];
	p0 =	sne.s32 s2, $0x0  }
0xef: {  	s3 =	rddreg [dreg:$0x2];
	[bflag:$0x3] =	sbarrier.arrive $0xFFFF;
	s2 =	simm.s32 @!p0 $0x1C07  }
0xf0: {  	[timem:s3], [sflag:s2] =	dma.local @!p0 [hbm:s0], s1  }
0xf1: {  	s0 =	simm.s32 @!p0 $0x7  }
0xf2: {  	_ =	swait.ge @!p0 [sflag:s0], s1  }
0xf3: {  	s1 =	ssub.s32 @!p0 $0x0, s1;
	[sflag:s0] =	ssyncset.done @!p0 $0x0  }
0xf4: {  	[sflag:s0] =	ssyncadd.s32 @!p0 s1  }
0xf5: {  	[bflag:$0x3] =	sbarrier.arrive $0xFFFF  }
0xf6: {  	_ =	shalt  }

// kernel: sparse-core-data-format-call.cloned.1.call-start
scs
called_computation_lowered:
.L_overlay_start_0:
0x0: {  	s1 =	sld [smem:$0x3FD9]  }
0x1: {  	s2 =	sld [smem:$0x3FFE];
	_ =	sdelay $0x1  }
0x2: {  	s3 =	srdreg.scid  }
0x3: {  	s0 =	sand.u32 $0x1, s3  }
0x4: {  	s17 =	sshll.u32 s0, $0xA;
	s1 =	sadd.s32 s2, s1  }
0x5: {  	s1 =	sadd.s32 s1, s17  }
0x6: {  	[smem:$0x3FBD] =	sst s1  }
0x7: {  	_ = 	snop  }
0x8: {  	(tm) =	ssettm $0x1  }
0x9: {  	s18 =	sld [smem:$0x3FFB];
	_ =	sdelay $0x3  }
0xa: {  	_ =	strace s18  }
0xb: {  	s1 =	sld [smem:$0x3FFC];
	_ =	sdelay $0x3  }
0xc: {  	_ =	strace s1  }
0xd: {  	s1 =	sld [smem:$0x3FFD];
	_ =	sdelay $0x3  }
0xe: {  	_ =	strace s1  }
0xf: {  	_ =	strace $0x8FFFFFFF  }
0x10: {  	s19 =	sld [smem:$0x3FDB];
	_ =	sdelay $0x1  }
0x11: {  	s20 =	simm.s32 $_scs_section_size  }
0x12: {  	s4 =	simm.s32 $_size__tile_overlayer_lowered;
	s5 =	simm.s32 $_tile_overlayer_lowered  }
0x13: {  	s23 =	simm.s32 $0x1BFF;
	s22 =	sshll.u32 s5, $0x1;
	s1 =	sadd.s32 s20, s19  }
0x14: {  	s6 =	simm.s32 $0x0;
	s21 =	sshll.u32 s4, $0x1;
	s4 =	sadd.s32 s22, s1  }
0x15: {  	[timem:s6], [sflag:s23] =	dma.local [hbm:s4], s21  }
0x16: {  	_ =	swait.ge [sflag:s23], s21  }
0x17: {  	s2 =	ssub.s32 $0x0, s21;
	[sflag:s23] =	ssyncset.done $0x0  }
0x18: {  	[sflag:s23] =	ssyncadd.s32 s2;
	_ =	sdelay $0x1  }
0x19: {  	s24 =	simm.s32 $0x1B8B  }
0x1a: {  	_ =	swait.ge [sflag:s24], $0x1  }
0x1b: {  	[sflag:s24] =	ssyncset.done $0x0  }
0x1c: {  	s26 =	simm.s32 $0x1B8E;
	s25 =	sld [smem:$0x3FFE];
	[sflag:s24] =	ssyncadd.s32 $0xFFFFFFFF  }
0x1d: {  	s27 =	simm.s32 $execute0_lowered;
	[smem:$0x3FD2] =	sst s26  }
0x1e: {  	s4 =	sshll.u32 s27, $0x1;
	_ =	strace $0x80000046;
	[dreg:$0x1] =	wrdreg $0xFFFFFFFF  }
0x1f: {  	s28 =	simm.s32 $_size_execute0_lowered;
	s1 =	sadd.s32 s1, s4;
	[dreg:$0x0] =	wrdreg $0x0  }
0x20: {  	s4 =	sshll.u32 s28, $0x1;
	[dreg:$0x2] =	wrdreg s1  }
0x21: {  	[dreg:$0x3] =	wrdreg s4  }
0x22: {  	[dreg:$0x4] =	wrdreg $0xC0  }
0x23: {  	_ =	task [dreg:s6], $0x5FFFF  }
0x24: {  	[dreg:$0x1] =	wrdreg $0xFFFFFFFF  }
0x25: {  	[dreg:$0x0] =	wrdreg $0x60  }
0x26: {  	[dreg:$0x2] =	wrdreg s25  }
0x27: {  	[dreg:$0x3] =	wrdreg $0x9  }
0x28: {  	_ =	task.clear_ibuf [dreg:s6], $0x4FFFF;
	_ =	strace $0x90000046  }
0x29: {  	s29 =	simm.s32 $0x9;
	_ =	strace $0x80000048  }
0x2a: {  	_ =	swait.ge [sflag:s29], $0x1  }
0x2b: {  	[sflag:s29] =	ssyncadd.s32 $0xFFFFFFFF  }
0x2c: {  	_ =	strace $0x90000048  }
0x2d: {  	_ =	sfence  }
0x2e: {  	s30 =	sld [smem:$0x0];
	_ =	sdelay $0x2  }
0x2f: {  	s31 =	sshll.u32 s3, $0xD;
	s3 =	sshrl.u32 s3, $0x2  }
0x30: {  	s2 =	sand.u32 $0x4000, s31;
	s1 =	sadd.s32 s3, s30  }
0x31: {  	s0 =	sor.u32 s2, s0;
	s1 =	sshll.u32 s1, $0x11  }
0x32: {  	s0 =	sor.u32 s1, s0  }
0x33: {  	s0 =	sadd.s32 $0x8F2B, s0  }
0x34: {  	[sflag:s0] =	ssyncadd.remote.s32 $0x1  }
0x35: {  	_ =	sfence.sel $0xFFFF  }
0x36: {  	[dreg:$0x0] =	wrdreg $0xFFFFFFFF;
	(pc) =	sbr.abs _section_cstart, $3  }
0x37: {  	[dreg:$0x1] =	wrdreg $0xFFFFFFFF  }
0x38: {  	_ =	task.clear_ibuf [dreg:s6], $0x2FFFF;
	_ =	strace $0x9FFFFFFF  }
0x39: {  	(tm) =	ssettm $0x7FFFFFFF  }
tec
execute0_lowered:
.L_overlay_start_1:
0x0: {  	(tag) =	ssettag $0x1  }
0x1: {  	s0 =	srdreg.scid  }
0x2: {  	s6 =	rddreg [dreg:$0x0];
	s7 =	simm.s32 $0x1;
	s1 =	sshll.u32 s0, $0x4  }
0x3: {  	s8 =	simm.s32 $0x2;
	s0 =	stileid.u32;
	s1 =	sand.u32 $0x10, s1  }
0x4: {  	s13 =	simm.s32 $0x0;
	s12 =	simm.s32 $0x0;
	s1 =	sor.u32 s0, s1  }
0x5: {  	s10 =	simm.s32 $0x0;
	s11 =	simm.s32 $0x0;
	s2 =	sshll.u32 s1, $0x9  }
0x6: {  	s3 =	sadd.s32 $0x1C00, s6;
	s6 =	sadd.s32 $0x13A400, s6;
	s5 =	ssub.s32 $0x4E200, s2  }
.Ltmp0:
0x7: {  	s1 =	rddreg [dreg:$0x1];
	s4 =	sand.u32 $0x3E00, s5;
	(pc) =	sbr.rel .LBB1_1-.Ltmp0, $4  }
0x8: {  	_ =	strace $0x80000047;
	s9 =	smov.u32 s2;
	p0 =	sne.s32 s4, $0x0  }
0x9: {  	s5 =	sshrl.u32 s5, $0xE;
	s4 =	simm.s32 $0x1;
	s7 =	simm.s32 @!p0 $0x0  }
0xa: {  	[sflag:s4] =	ssyncpa.u1 $0x0;
	p0 =	por $0x0, $0x0;
	s5 =	sadd.s32 s7, s5  }
0xb: {  	[sflag:s8] =	ssyncpa.u1 $0x0;
	s8 =	simm.s32 $0x80;
	s7 =	sadd.s32 $0x1, s5  }
.LBB1_4:
0xc: {  	_ = 	snop  }
0xd: {  	[tilespmem:s18+$0x2D60 ss:$0x21] =	vst.msk $0xffff, v7  }
0xe: {  	[tilespmem:s18+$0x2F70 ss:$0x21] =	vst.msk $0xffff, v6  }
0xf: {  	[tilespmem:s18+$0x3390 ss:$0x21] =	vst.msk $0xffff, v3  }
0x10: {  	s21 =	sor.u32 s24, s23;
	v31 =	vld.idx.msk [tilespmem:v0+s16+$0xC70 ss:$0x1], $0xffff;
	[tilespmem:s18+$0x35A0 ss:$0x21] =	vst.msk $0xffff, v1  }
0x11: {  	[tilespmem:s18+$0x37B0 ss:$0x21] =	vst.msk $0xffff, v2;
	v43 =	vld.idx.msk [tilespmem:v0+s21+$0x410 ss:$0x1], $0xffff  }
0x12: {  	[tilespmem:s18+$0x39C0 ss:$0x21] =	vst.msk $0xffff, v4;
	v44 =	vld.idx.msk [tilespmem:v0+s21+$0x420 ss:$0x1], $0xffff  }
0x13: {  	[tilespmem:s18+$0x3BD0 ss:$0x21] =	vst.msk $0xffff, v5;
	s22 =	sand.u32 $0x3200, s21;
	v45 =	vld.idx.msk [tilespmem:v0+s21+$0x430 ss:$0x1], $0xffff  }
0x14: {  	s20 =	sand.u32 $0x180, s20;
	s25 =	sshra.s32 s19, $0x2;
	[tilespmem:s18+$0x3DE0 ss:$0x21] =	vst.msk $0xffff, v8;
	v46 =	vld.idx.msk [tilespmem:v0+s21+$0x440 ss:$0x1], $0xffff;
	s15 =	sadd.s32 s22, s15  }
0x15: {  	v47 =	vld.idx.msk [tilespmem:v0+s21+$0x450 ss:$0x1], $0xffff;
	s24 =	sadd.s32 s20, s15;
	s15 =	sadd.s32 s25, s17;
	[tilespmem:s18+$0x3FF0 ss:$0x21] =	vst.msk $0xffff, v31  }
0x16: {  	v48 =	vld.idx.msk [tilespmem:v0+s21+$0x460 ss:$0x1], $0xffff;
	[tilespmem:s15+$0x1290 ss:$0x21] =	vst.msk $0xffff, v43  }
0x17: {  	v49 =	vld.idx.msk [tilespmem:v0+s21+$0x470 ss:$0x1], $0xffff;
	[tilespmem:s15+$0x14A0 ss:$0x21] =	vst.msk $0xffff, v44  }
0x18: {  	v50 =	vld.idx.msk [tilespmem:v0+s21+$0x810 ss:$0x1], $0xffff;
	[tilespmem:s15+$0x16B0 ss:$0x21] =	vst.msk $0xffff, v45  }
0x19: {  	v51 =	vld.idx.msk [tilespmem:v0+s21+$0x820 ss:$0x1], $0xffff;
	[tilespmem:s15+$0x18C0 ss:$0x21] =	vst.msk $0xffff, v46  }
0x1a: {  	v52 =	vld.idx.msk [tilespmem:v0+s21+$0x830 ss:$0x1], $0xffff;
	[tilespmem:s15+$0x1AD0 ss:$0x21] =	vst.msk $0xffff, v47  }
0x1b: {  	v53 =	vld.idx.msk [tilespmem:v0+s21+$0x840 ss:$0x1], $0xffff;
	[tilespmem:s15+$0x1CE0 ss:$0x21] =	vst.msk $0xffff, v48  }
0x1c: {  	v54 =	vld.idx.msk [tilespmem:v0+s21+$0x850 ss:$0x1], $0xffff;
	[tilespmem:s15+$0x1EF0 ss:$0x21] =	vst.msk $0xffff, v49  }
0x1d: {  	v55 =	vld.idx.msk [tilespmem:v0+s21+$0x860 ss:$0x1], $0xffff;
	[tilespmem:s15+$0x2310 ss:$0x21] =	vst.msk $0xffff, v50  }
0x1e: {  	v56 =	vld.idx.msk [tilespmem:v0+s21+$0x870 ss:$0x1], $0xffff;
	[tilespmem:s15+$0x2520 ss:$0x21] =	vst.msk $0xffff, v51  }
0x1f: {  	v57 =	vld.idx.msk [tilespmem:v0+s21+$0xC10 ss:$0x1], $0xffff;
	[tilespmem:s15+$0x2730 ss:$0x21] =	vst.msk $0xffff, v52  }
0x20: {  	v58 =	vld.idx.msk [tilespmem:v0+s21+$0xC20 ss:$0x1], $0xffff;
	[tilespmem:s15+$0x2940 ss:$0x21] =	vst.msk $0xffff, v53  }
0x21: {  	v59 =	vld.idx.msk [tilespmem:v0+s21+$0xC30 ss:$0x1], $0xffff;
	[tilespmem:s15+$0x2B50 ss:$0x21] =	vst.msk $0xffff, v54  }
0x22: {  	v60 =	vld.idx.msk [tilespmem:v0+s21+$0xC40 ss:$0x1], $0xffff;
	[tilespmem:s15+$0x2D60 ss:$0x21] =	vst.msk $0xffff, v55  }
0x23: {  	v61 =	vld.idx.msk [tilespmem:v0+s21+$0xC50 ss:$0x1], $0xffff;
	[tilespmem:s15+$0x2F70 ss:$0x21] =	vst.msk $0xffff, v56  }
0x24: {  	v62 =	vld.idx.msk [tilespmem:v0+s21+$0xC60 ss:$0x1], $0xffff;
	[tilespmem:s15+$0x3390 ss:$0x21] =	vst.msk $0xffff, v57  }
0x25: {  	v63 =	vld.idx.msk [tilespmem:v0+s21+$0xC70 ss:$0x1], $0xffff;
	[tilespmem:s15+$0x35A0 ss:$0x21] =	vst.msk $0xffff, v58  }
0x26: {  	v32 =	vld [tilespmem:s24+$0xC00];
	[tilespmem:s15+$0x37B0 ss:$0x21] =	vst.msk $0xffff, v59  }
0x27: {  	v33 =	vld [tilespmem:s24+$0x0];
	[tilespmem:s15+$0x39C0 ss:$0x21] =	vst.msk $0xffff, v60  }
0x28: {  	v34 =	vld [tilespmem:s24+$0x10];
	[tilespmem:s15+$0x3BD0 ss:$0x21] =	vst.msk $0xffff, v61  }
0x29: {  	s13 =	sshll.u32 s13, $0x7;
	s26 =	sshll.u32 s12, $0x3;
	v35 =	vld [tilespmem:s24+$0x20];
	[tilespmem:s15+$0x3DE0 ss:$0x21] =	vst.msk $0xffff, v62  }
0x2a: {  	s27 =	sand.u32 $0xFFFFFC00, s13;
	s16 =	sand.u32 $0xFFFFFC00, s26;
	v36 =	vld [tilespmem:s24+$0x30];
	[tilespmem:s15+$0x3FF0 ss:$0x21] =	vst.msk $0xffff, v63  }
0x2b: {  	s13 =	sand.u32 $0x380, s13;
	s16 =	sadd.s32 s16, s27;
	v37 =	vld [tilespmem:s24+$0x40];
	[tilespmem:s15+$0x3180 ss:$0x21] =	vst.msk $0xffff, v32  }
0x2c: {  	s13 =	sor.u32 s13, s16;
	v38 =	vld [tilespmem:s24+$0x50];
	[tilespmem:s15+$0x0 ss:$0x21] =	vst.msk $0xffff, v33  }
0x2d: {  	v39 =	vld [tilespmem:s24+$0x60];
	s13 =	sshrl.u32 s13, $0x7;
	[tilespmem:s15+$0x210 ss:$0x21] =	vst.msk $0xffff, v34  }
0x2e: {  	v40 =	vld [tilespmem:s24+$0x70];
	s28 =	smulhi.u32 $0x1A36E2F, s13;
	[tilespmem:s15+$0x420 ss:$0x21] =	vst.msk $0xffff, v35  }
0x2f: {  	v41 =	vld [tilespmem:s24+$0x400];
	[tilespmem:s15+$0x630 ss:$0x21] =	vst.msk $0xffff, v36  }
0x30: {  	v42 =	vld [tilespmem:s24+$0x800];
	s16 =	sshrl.u32 s28, $0xB;
	[tilespmem:s15+$0x840 ss:$0x21] =	vst.msk $0xffff, v37  }
0x31: {  	s16 =	smul.u32 $0x4E200, s16;
	[tilespmem:s15+$0xA50 ss:$0x21] =	vst.msk $0xffff, v38  }
0x32: {  	s29 =	sshrl.u32 s12, $0x3;
	[tilespmem:s15+$0xC60 ss:$0x21] =	vst.msk $0xffff, v39  }
0x33: {  	s31 =	sand.u32 $0x7, s12;
	s30 =	sand.u32 $0xF, s29;
	[tilespmem:s15+$0xE70 ss:$0x21] =	vst.msk $0xffff, v40;
	s13 =	ssub.s32 s13, s16  }
0x34: {  	s12 =	sshll.u32 s31, $0x12;
	[tilespmem:s15+$0x1080 ss:$0x21] =	vst.msk $0xffff, v41;
	s16 =	sadd.s32 s6, s30;
	s13 =	sshll.u32 s13, $0x4  }
0x35: {  	s12 =	sor.u32 $0x20, s12;
	[tilespmem:s15+$0x2100 ss:$0x21] =	vst.msk $0xffff, v42;
	s13 =	sadd.s32 s13, s16  }
0x36: {  	[hbm4b:s13+s12] =	stream.strided.scatter [tilespmem:s14], [sflag:$0x2], $0x4000, s8, s12, $0x10;
	[tilespmem:$0x10400] =	vst v63  }
.LBB1_5:
0x37: {  	s14 =	sadd.s32 $0x4000, s9  }
0x38: {  	s12 =	sadd.s32 $0x20, s10;
	s16 =	smov.u32 s10;
	p2 =	sgt.s32 s14, $0x4E1FF  }
0x39: {  	s16 =	smov.u32 @p2 s12  }
0x3a: {  	s14 =	smov.u32 @p2 s2;
	p2 =	sgt.s32 s16, $0x1F  }
0x3b: {  	s16 =	simm.s32 @p2 $0x0;
	p2 =	sne.s32 s11, s7  }
.Ltmp1:
0x3c: {  	p1 =	slt.u32 s11, $0x2;
	(pc) =	sbr.rel @!p2 .LBB1_6-.Ltmp1, $4  }
0x3d: {  	s15 =	simm.s32 @!p1 $0x2  }
0x3e: {  	s13 =	smov.u32 s9;
	p0 =	por !p0, !p0;
	_ =	swait.ge @!p1 [sflag:s15], $0x4000  }
0x3f: {  	s12 =	smov.u32 s10;
	[sflag:s15] =	ssyncset.done @!p1 $0x0;
	s9 =	smov.u32 s14  }
0x40: {  	s11 =	sadd.s32 $0x1, s11;
	[sflag:s15] =	ssyncadd.s32 @!p1 $0xFFFFC000;
	s10 =	smov.u32 s16  }
.LBB1_1:
0x41: {  	p1 =	sge.u32 s11, s5  }
0x42: {  	s14 =	sshrl.u32 @!p1 s10, $0x3  }
0x43: {  	s15 =	sshll.u32 @!p1 s9, $0x3;
	s14 =	smul.u32 @!p1 $0x271000, s14  }
0x44: {  	s16 =	sshll.u32 @!p1 s10, $0x7;
	s15 =	sand.u32 @!p1 $0xFFFFFC00, s15  }
0x45: {  	s14 =	sadd.s32 @!p1 s14, s15;
	s15 =	sand.u32 @!p1 $0x380, s16  }
0x46: {  	s16 =	sand.u32 @!p1 $0x7F, s9;
	s14 =	sor.u32 @!p1 s15, s14  }
0x47: {  	s15 =	sor.u32 @!p1 s16, s14  }
0x48: {  	s16 =	smulhi.u32 @!p1 $0xD1B71759, s15;
	_ =	sdelay $0x1  }
0x49: {  	s14 =	smulhi.u32 @!p1 $0xD1B71759, s14;
	s16 =	sshrl.u32 @!p1 s16, $0x12  }
0x4a: {  	s16 =	smul.u32 @!p1 $0x4E200, s16  }
0x4b: {  	s31 =	sadd.s32 $0xFFFFFFFF, s11;
	s17 =	sxor.u32 @!p1 $0xFFFFFFFF, s11;
	s14 =	sshrl.u32 @!p1 s14, $0x12  }
0x4c: {  	s17 =	sshll.u32 @!p1 s17, $0xE;
	s14 =	sand.u32 @!p1 $0x1F, s14;
	s15 =	ssub.s32 @!p1 s15, s16  }
0x4d: {  	s14 =	smul.u32 @!p1 $0x9C40, s14;
	s16 =	sshrl.u32 @!p1 s15, $0x3;
	s15 =	sand.u32 @!p1 $0x7, s15  }
0x4e: {  	s17 =	sand.u32 @!p1 $0x4000, s17;
	s16 =	sadd.s32 @!p1 s3, s16;
	s15 =	sshll.u32 @!p1 s15, $0x12  }
0x4f: {  	s14 =	sadd.s32 @!p1 s14, s16;
	s15 =	sor.u32 @!p1 $0x1000, s15;
	s16 =	simm.s32 @!p1 $0x271000  }
0x50: {  	[tilespmem:s17], [sflag:$0x1] =	stream.strided.gather @!p1 [hbm4b:s14+s15], $0x4000, s16, s15, $0x38;
	[tilespmem:$0x10400] =	vst v63  }
0x51: {  	p1 =	sge.u32 s31, s5  }
.Ltmp2:
0x52: {  	_ = 	snop;
	(pc) =	sbr.rel @p1 .LBB1_5-.Ltmp2, $1  }
0x53: {  	_ =	sdelay $0x3  }
0x54: {  	s17 =	simm.s32 $0x0  }
0x55: {  	s16 =	sand.u32 $0x3000, s17;
	s18 =	sand.u32 $0x380, s17  }
0x56: {  	s14 =	sand.u32 $0x1, s11;
	s16 =	sor.u32 s18, s16  }
0x57: {  	_ =	swait.ge [sflag:s4], $0x4000;
	s15 =	sshll.u32 s14, $0xE;
	s18 =	sand.u32 $0x3200, s16  }
0x58: {  	[sflag:s4] =	ssyncset.done $0x0;
	s17 =	sand.u32 $0x180, s17;
	s18 =	sadd.s32 s18, s15  }
0x59: {  	[sflag:s4] =	ssyncadd.s32 $0xFFFFC000;
	s20 =	sadd.s32 s17, s18  }
0x5a: {  	v4 =	vld [tilespmem:s20+$0xC00]  }
0x5b: {  	s19 =	simm.s32 $0x1;
	v0 =	vmov s15;
	v5 =	vld [tilespmem:s20+$0x0]  }
0x5c: {  	s19 =	simm.s32 @!p0 $0x0;
	v6 =	vld [tilespmem:s20+$0x10]  }
0x5d: {  	s31 =	smul.u32 $0x10800, s19;
	v7 =	vld [tilespmem:s20+$0x20]  }
0x5e: {  	v8 =	vld [tilespmem:s20+$0x30]  }
0x5f: {  	s17 =	sshrl.u32 s31, $0x2;
	v9 =	vld [tilespmem:s20+$0x40]  }
0x60: {  	s17 =	sor.u32 $0x8000, s17;
	v1 =	vld.idx.msk [tilespmem:v0+s16+$0x410 ss:$0x1], $0xffff  }
0x61: {  	v2 =	vld.idx.msk [tilespmem:v0+s16+$0x420 ss:$0x1], $0xffff;
	s18 =	sadd.s32 $0x0, s17  }
0x62: {  	v3 =	vld.idx.msk [tilespmem:v0+s16+$0x430 ss:$0x1], $0xffff;
	[tilespmem:s18+$0x3180 ss:$0x21] =	vst.msk $0xffff, v4  }
0x63: {  	v10 =	vld.idx.msk [tilespmem:v0+s16+$0x820 ss:$0x1], $0xffff;
	[tilespmem:s18+$0x0 ss:$0x21] =	vst.msk $0xffff, v5  }
0x64: {  	v11 =	vld.idx.msk [tilespmem:v0+s16+$0x830 ss:$0x1], $0xffff;
	[tilespmem:s18+$0x210 ss:$0x21] =	vst.msk $0xffff, v6  }
0x65: {  	v12 =	vld.idx.msk [tilespmem:v0+s16+$0x840 ss:$0x1], $0xffff;
	[tilespmem:s18+$0x420 ss:$0x21] =	vst.msk $0xffff, v7  }
0x66: {  	v13 =	vld.idx.msk [tilespmem:v0+s16+$0x850 ss:$0x1], $0xffff;
	[tilespmem:s18+$0x630 ss:$0x21] =	vst.msk $0xffff, v8  }
0x67: {  	v4 =	vld [tilespmem:s20+$0x50];
	[tilespmem:s18+$0x840 ss:$0x21] =	vst.msk $0xffff, v9  }
0x68: {  	v5 =	vld [tilespmem:s20+$0x60];
	[tilespmem:s18+$0x1290 ss:$0x21] =	vst.msk $0xffff, v1  }
0x69: {  	v6 =	vld [tilespmem:s20+$0x70];
	[tilespmem:s18+$0x14A0 ss:$0x21] =	vst.msk $0xffff, v2  }
0x6a: {  	v7 =	vld [tilespmem:s20+$0x400];
	[tilespmem:s18+$0x16B0 ss:$0x21] =	vst.msk $0xffff, v3  }
0x6b: {  	v8 =	vld [tilespmem:s20+$0x800];
	[tilespmem:s18+$0x2520 ss:$0x21] =	vst.msk $0xffff, v10  }
0x6c: {  	v9 =	vld.idx.msk [tilespmem:v0+s16+$0x470 ss:$0x1], $0xffff;
	[tilespmem:s18+$0x2730 ss:$0x21] =	vst.msk $0xffff, v11  }
0x6d: {  	v3 =	vld.idx.msk [tilespmem:v0+s16+$0xC10 ss:$0x1], $0xffff;
	[tilespmem:s18+$0x2940 ss:$0x21] =	vst.msk $0xffff, v12  }
0x6e: {  	v1 =	vld.idx.msk [tilespmem:v0+s16+$0xC20 ss:$0x1], $0xffff;
	[tilespmem:s18+$0x2B50 ss:$0x21] =	vst.msk $0xffff, v13  }
0x6f: {  	v2 =	vld.idx.msk [tilespmem:v0+s16+$0xC30 ss:$0x1], $0xffff;
	[tilespmem:s18+$0xA50 ss:$0x21] =	vst.msk $0xffff, v4  }
0x70: {  	[tilespmem:s18+$0xE70 ss:$0x21] =	vst.msk $0xffff, v6;
	v6 =	vld.idx.msk [tilespmem:v0+s16+$0x460 ss:$0x1], $0xffff  }
0x71: {  	v4 =	vld.idx.msk [tilespmem:v0+s16+$0x440 ss:$0x1], $0xffff;
	[tilespmem:s18+$0xC60 ss:$0x21] =	vst.msk $0xffff, v5  }
0x72: {  	v5 =	vld.idx.msk [tilespmem:v0+s16+$0x450 ss:$0x1], $0xffff;
	[tilespmem:s18+$0x1080 ss:$0x21] =	vst.msk $0xffff, v7  }
0x73: {  	[tilespmem:s18+$0x2100 ss:$0x21] =	vst.msk $0xffff, v8;
	v8 =	vld.idx.msk [tilespmem:v0+s16+$0x810 ss:$0x1], $0xffff  }
0x74: {  	v7 =	vld.idx.msk [tilespmem:v0+s16+$0x860 ss:$0x1], $0xffff;
	[tilespmem:s18+$0x1EF0 ss:$0x21] =	vst.msk $0xffff, v9  }
0x75: {  	s14 =	smul.u32 $0x10800, s14;
	[tilespmem:s18+$0x1CE0 ss:$0x21] =	vst.msk $0xffff, v6;
	v6 =	vld.idx.msk [tilespmem:v0+s16+$0x870 ss:$0x1], $0xffff  }
0x76: {  	s21 =	simm.s32 $0x200;
	s22 =	simm.s32 $0x8;
	[tilespmem:s18+$0x18C0 ss:$0x21] =	vst.msk $0xffff, v4;
	v4 =	vld.idx.msk [tilespmem:v0+s16+$0xC40 ss:$0x1], $0xffff  }
0x77: {  	s23 =	sand.u32 $0x3000, s21;
	s14 =	sshrl.u32 s14, $0x2;
	s20 =	simm.s32 $0x80;
	[tilespmem:s18+$0x1AD0 ss:$0x21] =	vst.msk $0xffff, v5;
	v5 =	vld.idx.msk [tilespmem:v0+s16+$0xC50 ss:$0x1], $0xffff  }
0x78: {  	s19 =	simm.s32 $0x4;
	s14 =	sor.u32 $0x8000, s14;
	s24 =	sand.u32 $0x380, s20;
	[tilespmem:s18+$0x2310 ss:$0x21] =	vst.msk $0xffff, v8;
	v8 =	vld.idx.msk [tilespmem:v0+s16+$0xC60 ss:$0x1], $0xffff  }
.LBB1_3:
0x79: {  	p1 =	sne.s32 s22, $0x7C;
	[tilespmem:s18+$0x2D60 ss:$0x21] =	vst.msk $0xffff, v7;
	v7 =	vld.idx.msk [tilespmem:v0+s16+$0xC70 ss:$0x1], $0xffff;
	s16 =	sor.u32 s24, s23  }
0x7a: {  	s23 =	sand.u32 $0x3200, s16;
	v9 =	vld.idx.msk [tilespmem:v0+s16+$0x410 ss:$0x1], $0xffff;
	[tilespmem:s18+$0x2F70 ss:$0x21] =	vst.msk $0xffff, v6  }
0x7b: {  	s24 =	sand.u32 $0x180, s20;
	s23 =	sadd.s32 s23, s15;
	v6 =	vld.idx.msk [tilespmem:v0+s16+$0x420 ss:$0x1], $0xffff;
	[tilespmem:s18+$0x3390 ss:$0x21] =	vst.msk $0xffff, v3  }
0x7c: {  	s23 =	sadd.s32 s24, s23;
	v3 =	vld.idx.msk [tilespmem:v0+s16+$0x430 ss:$0x1], $0xffff;
	[tilespmem:s18+$0x35A0 ss:$0x21] =	vst.msk $0xffff, v1  }
0x7d: {  	v1 =	vld [tilespmem:s23+$0xC00];
	[tilespmem:s18+$0x37B0 ss:$0x21] =	vst.msk $0xffff, v2  }
0x7e: {  	v2 =	vld [tilespmem:s23+$0x0];
	[tilespmem:s18+$0x39C0 ss:$0x21] =	vst.msk $0xffff, v4  }
0x7f: {  	v4 =	vld [tilespmem:s23+$0x10];
	[tilespmem:s18+$0x3BD0 ss:$0x21] =	vst.msk $0xffff, v5  }
0x80: {  	s24 =	sshra.s32 s19, $0x2;
	s19 =	smov.u32 s22;
	v5 =	vld [tilespmem:s23+$0x20];
	[tilespmem:s18+$0x3DE0 ss:$0x21] =	vst.msk $0xffff, v8  }
0x81: {  	v8 =	vld [tilespmem:s23+$0x30];
	[tilespmem:s18+$0x3FF0 ss:$0x21] =	vst.msk $0xffff, v7;
	s18 =	sadd.s32 s24, s17  }
0x82: {  	v7 =	vld [tilespmem:s23+$0x40];
	[tilespmem:s18+$0x3180 ss:$0x21] =	vst.msk $0xffff, v1  }
0x83: {  	[tilespmem:s18+$0x0 ss:$0x21] =	vst.msk $0xffff, v2;
	v1 =	vld [tilespmem:s23+$0x50]  }
0x84: {  	[tilespmem:s18+$0x210 ss:$0x21] =	vst.msk $0xffff, v4;
	v2 =	vld [tilespmem:s23+$0x60]  }
0x85: {  	[tilespmem:s18+$0x420 ss:$0x21] =	vst.msk $0xffff, v5;
	v4 =	vld [tilespmem:s23+$0x70]  }
0x86: {  	[tilespmem:s18+$0x630 ss:$0x21] =	vst.msk $0xffff, v8;
	v5 =	vld [tilespmem:s23+$0x400]  }
0x87: {  	[tilespmem:s18+$0x840 ss:$0x21] =	vst.msk $0xffff, v7;
	v7 =	vld [tilespmem:s23+$0x800]  }
0x88: {  	[tilespmem:s18+$0xA50 ss:$0x21] =	vst.msk $0xffff, v1;
	v1 =	vld.idx.msk [tilespmem:v0+s16+$0x440 ss:$0x1], $0xffff  }
0x89: {  	[tilespmem:s18+$0xC60 ss:$0x21] =	vst.msk $0xffff, v2;
	v2 =	vld.idx.msk [tilespmem:v0+s16+$0x450 ss:$0x1], $0xffff  }
0x8a: {  	[tilespmem:s18+$0xE70 ss:$0x21] =	vst.msk $0xffff, v4;
	v4 =	vld.idx.msk [tilespmem:v0+s16+$0x460 ss:$0x1], $0xffff  }
0x8b: {  	[tilespmem:s18+$0x1080 ss:$0x21] =	vst.msk $0xffff, v5;
	v5 =	vld.idx.msk [tilespmem:v0+s16+$0x470 ss:$0x1], $0xffff  }
0x8c: {  	[tilespmem:s18+$0x2100 ss:$0x21] =	vst.msk $0xffff, v7;
	v8 =	vld.idx.msk [tilespmem:v0+s16+$0x810 ss:$0x1], $0xffff  }
0x8d: {  	[tilespmem:s18+$0x1290 ss:$0x21] =	vst.msk $0xffff, v9;
	v9 =	vld.idx.msk [tilespmem:v0+s16+$0x820 ss:$0x1], $0xffff  }
0x8e: {  	[tilespmem:s18+$0x14A0 ss:$0x21] =	vst.msk $0xffff, v6;
	v10 =	vld.idx.msk [tilespmem:v0+s16+$0x830 ss:$0x1], $0xffff  }
0x8f: {  	[tilespmem:s18+$0x16B0 ss:$0x21] =	vst.msk $0xffff, v3;
	v11 =	vld.idx.msk [tilespmem:v0+s16+$0x840 ss:$0x1], $0xffff  }
0x90: {  	[tilespmem:s18+$0x18C0 ss:$0x21] =	vst.msk $0xffff, v1;
	v12 =	vld.idx.msk [tilespmem:v0+s16+$0x850 ss:$0x1], $0xffff  }
0x91: {  	[tilespmem:s18+$0x1AD0 ss:$0x21] =	vst.msk $0xffff, v2;
	v7 =	vld.idx.msk [tilespmem:v0+s16+$0x860 ss:$0x1], $0xffff  }
0x92: {  	[tilespmem:s18+$0x1CE0 ss:$0x21] =	vst.msk $0xffff, v4;
	v6 =	vld.idx.msk [tilespmem:v0+s16+$0x870 ss:$0x1], $0xffff  }
0x93: {  	[tilespmem:s18+$0x1EF0 ss:$0x21] =	vst.msk $0xffff, v5;
	v3 =	vld.idx.msk [tilespmem:v0+s16+$0xC10 ss:$0x1], $0xffff  }
.Ltmp3:
0x94: {  	[tilespmem:s18+$0x2310 ss:$0x21] =	vst.msk $0xffff, v8;
	v1 =	vld.idx.msk [tilespmem:v0+s16+$0xC20 ss:$0x1], $0xffff;
	(pc) =	sbr.rel @p1 .LBB1_3-.Ltmp3, $4  }
0x95: {  	[tilespmem:s18+$0x2520 ss:$0x21] =	vst.msk $0xffff, v9;
	v2 =	vld.idx.msk [tilespmem:v0+s16+$0xC30 ss:$0x1], $0xffff  }
0x96: {  	[tilespmem:s18+$0x2730 ss:$0x21] =	vst.msk $0xffff, v10;
	v4 =	vld.idx.msk [tilespmem:v0+s16+$0xC40 ss:$0x1], $0xffff  }
0x97: {  	s20 =	sadd.s32 $0x80, s20;
	s21 =	sadd.s32 $0x200, s21;
	[tilespmem:s18+$0x2940 ss:$0x21] =	vst.msk $0xffff, v11;
	v5 =	vld.idx.msk [tilespmem:v0+s16+$0xC50 ss:$0x1], $0xffff  }
0x98: {  	s22 =	sadd.s32 $0x4, s22;
	s24 =	sand.u32 $0x380, s20;
	s23 =	sand.u32 $0x3000, s21;
	[tilespmem:s18+$0x2B50 ss:$0x21] =	vst.msk $0xffff, v12;
	v8 =	vld.idx.msk [tilespmem:v0+s16+$0xC60 ss:$0x1], $0xffff  }
.Ltmp4:
0x99: {  	_ = 	snop;
	(pc) =	sbr.rel .LBB1_4-.Ltmp4, $1  }
0x9a: {  	_ =	sdelay $0x3  }
.LBB1_6:
0x9b: {  	_ =	sfence.sel $0x180000  }
0x9c: {  	s2 =	simm.s32 $0x1;
	[bflag:$0x0] =	sbarrier.arrive $0xFFFF  }
0x9d: {  	s31 =	simm.s32 $0x2;
	[sflag:s2] =	ssyncpa.u1 $0x1  }
0x9e: {  	[sflag:s31] =	ssyncpa.u1 $0x1  }
0x9f: {  	p0 =	sne.s32 s0, $0x0;
	_ =	strace $0x90000047  }
0xa0: {  	s0 =	sadd.s32 @!p0 $0x100000, s1;
	[bflag:$0x2] =	sbarrier.arrive $0xFFFF  }
0xa1: {  	[sflag:s0] =	ssyncadd.tile.s32 @!p0 $0x1;
	_ =	shalt  }
.Lfunc_end1:
_tile_overlayer_lowered:
.L_overlay_start_2:
0xa2: {  	(tag) =	ssettag $0x2  }
0xa3: {  	s0 =	rddreg [dreg:$0x0];
	s2 =	stileid.u32  }
0xa4: {  	s1 =	rddreg [dreg:$0x1];
	p0 =	sne.s32 s2, $0x0  }
0xa5: {  	s3 =	rddreg [dreg:$0x2];
	[bflag:$0x3] =	sbarrier.arrive $0xFFFF;
	s2 =	simm.s32 @!p0 $0x1C01  }
0xa6: {  	[timem:s3], [sflag:s2] =	dma.local @!p0 [hbm:s0], s1  }
0xa7: {  	s0 =	simm.s32 @!p0 $0x1  }
0xa8: {  	_ =	swait.ge @!p0 [sflag:s0], s1  }
0xa9: {  	s1 =	ssub.s32 @!p0 $0x0, s1;
	[sflag:s0] =	ssyncset.done @!p0 $0x0  }
0xaa: {  	[sflag:s0] =	ssyncadd.s32 @!p0 s1  }
0xab: {  	[bflag:$0x3] =	sbarrier.arrive $0xFFFF  }
0xac: {  	_ =	shalt  }

</sc_bundles>
